<compile_context>
chip_gen: v7x
topology: tpu7x:2x2x1
jax: 0.10.2.dev20260603
libtpu: 0.0.44.dev20260713+nightly
codegen_flags: <defaults>
</compile_context>

<pallas_src>
import functools

import jax
import jax.numpy as jnp
from jax import lax
from jax.experimental import pallas as pl
from jax.experimental.pallas import tpu as pltpu
from jax.experimental.pallas import tpu_sc as plsc

CHUNK = 32
UNROLL = 8


def kernel(x, pe):
    batch, seq_len, dim = x.shape
    info = plsc.get_sparse_core_info()
    n_workers = info.num_cores * info.num_subcores
    s_per_w = seq_len // n_workers
    nchunks = s_per_w // CHUNK
    mesh = plsc.VectorSubcoreMesh(core_axis_name="c", subcore_axis_name="s")

    @functools.partial(
        pl.kernel,
        mesh=mesh,
        out_type=jax.ShapeDtypeStruct((batch * seq_len, dim), x.dtype),
        scratch_types=[
            pltpu.VMEM((CHUNK, dim), jnp.float32),
            pltpu.VMEM((CHUNK, dim), jnp.float32),
            pltpu.VMEM((CHUNK, dim), jnp.float32),
            pltpu.SemaphoreType.DMA,
            pltpu.SemaphoreType.DMA,
        ],
    )
    def sc_add(x_hbm, pe_hbm, out_hbm, xb0, xb1, pbuf, sx0, sx1):
        wid = lax.axis_index("s") * info.num_cores + lax.axis_index("c")
        rbase = wid * s_per_w

        xb = (xb0, xb1)
        sx = (sx0, sx1)

        def row_off(c, b):
            return b * seq_len + rbase + c * CHUNK

        def issue_in(p, c, b):
            pltpu.async_copy(
                x_hbm.at[pl.ds(row_off(c, b), CHUNK), :], xb[p], sx[p])

        def wait_in(p):
            pltpu.make_async_copy(
                x_hbm.at[pl.ds(0, CHUNK), :], xb[p], sx[p]).wait()

        def add_chunk(p):
            def row(r, carry):
                def col(jv, carry2):
                    sl = pl.ds(jv * 16, 16)
                    xb[p][r, sl] = xb[p][r, sl] + pbuf[r, sl]
                    return carry2
                lax.fori_loop(0, dim // 16, col, 0, unroll=UNROLL)
                return carry
            lax.fori_loop(0, CHUNK, row, 0)

        issue_in(0, 0, 0)
        issue_in(1, 0, 1)

        def chunk_body(c, carry):
            pltpu.sync_copy(pe_hbm.at[pl.ds(rbase + c * CHUNK, CHUNK), :],
                            pbuf)
            for b in range(batch):
                p = b % 2
                wait_in(p)
                add_chunk(p)
                pltpu.sync_copy(xb[p], out_hbm.at[pl.ds(row_off(c, b),
                                                        CHUNK), :])
                if b < 2:
                    issue_in(p, c, b + 2)
                else:
                    @pl.when(c < nchunks - 1)
                    def _():
                        issue_in(p, c + 1, b - 2)
            return carry

        lax.fori_loop(0, nchunks, chunk_body, 0)

    out = sc_add(x.reshape(batch * seq_len, dim), pe[:seq_len])
    return out.reshape(batch, seq_len, dim)

# --- scband reference (transcript-rebuilt; emitter-appended) ---
"""Pipeline reference for scband-learned-positional-encoding-1941325218188 (READ-ONLY COPY).

The authoritative reference and input builder live on the scoring server;
editing this copy changes nothing except your own understanding.
"""

import jax, jax.numpy as jnp
import numpy as np

SEQ_LENGTH = 8192
MAX_POS = 8192
EMBED_DIM = 1024
BATCH = 4

def setup_inputs(seed: int = 0) -> dict:
    key = jax.random.key(seed)
    k1, k2 = jax.random.split(key)
    x = jax.random.normal(k1, (BATCH, SEQ_LENGTH, EMBED_DIM), dtype=jnp.float32)
    pe = jax.random.normal(k2, (MAX_POS, EMBED_DIM), dtype=jnp.float32) * 0.02
    return {"x": x, "pe": pe}

def reference(x, pe):
    # position_ids = registered buffer arange(max_pos)[None, :], sliced to seq_length
    position_ids = jnp.arange(MAX_POS)[None, :][:, :SEQ_LENGTH]
    # nn.Embedding lookup -> gather rows of the table
    position_embeddings = jnp.take(pe, position_ids, axis=0)  # [1, S, D]
    return x + position_embeddings

if __name__ == "__main__":
    import jax
    _d = setup_inputs()
    print(jax.jit(kernel)(*tuple(_d.values())))

</pallas_src>

<mosaic_0001>
#map = affine_map<(d0, d1) -> (0, 0)>
module attributes {stable_mosaic.version = 14 : i64} {
  func.func @sc_add(%arg0: i32, %arg1: i32, %arg2: memref<32768x1024xf32, #tpu.memory_space<hbm>>, %arg3: memref<8192x1024xf32, #tpu.memory_space<hbm>>, %arg4: memref<32768x1024xf32, #tpu.memory_space<hbm>>, %arg5: memref<32x1024xf32, #tpu.memory_space<vmem>>, %arg6: memref<32x1024xf32, #tpu.memory_space<vmem>>, %arg7: memref<32x1024xf32, #tpu.memory_space<vmem>>, %arg8: memref<!tpu.dma_semaphore, #tpu.memory_space<semaphore_mem>>, %arg9: memref<!tpu.dma_semaphore, #tpu.memory_space<semaphore_mem>>) attributes {dimension_semantics = [#tpu.dimension_semantics<core_parallel>, #tpu.dimension_semantics<subcore_parallel>], iteration_bounds = array<i64: 2, 16>, scalar_prefetch = 0 : i64, scratch_operands = 5 : i64, tpu.core_type = #tpu.core_type<sc_vector_subcore>, window_params = [{transform_indices = #map}, {transform_indices = #map}, {transform_indices = #map}]} {
    %mul3A = arith.constant 2 : i32
    %mul3A_0 = arith.muli %arg1, %mul3A : i32
    %add3A = arith.addi %mul3A_0, %arg0 : i32
    %mul3A_1 = arith.constant 256 : i32
    %mul3A_2 = arith.muli %add3A, %mul3A_1 : i32
    %add3A_3 = arith.constant 0 : i32
    %add3A_4 = arith.addi %add3A_3, %mul3A_2 : i32
    %add3A_5 = arith.constant 0 : i32
    %add3A_6 = arith.addi %add3A_4, %add3A_5 : i32
    %dma_start3A = arith.constant 0 : i32
    %dma_start3A_7 = tpu.memref_slice %arg2[%add3A_6, %dma_start3A] : memref<32768x1024xf32, #tpu.memory_space<hbm>> -> memref<32x1024xf32, #tpu.memory_space<hbm>>
    %dma_start3A_8 = arith.constant 0 : i32
    %dma_start3A_9 = tpu.memref_slice %arg2[%add3A_6, %dma_start3A_8] : memref<32768x1024xf32, #tpu.memory_space<hbm>> -> memref<32x1024xf32, #tpu.memory_space<hbm>>
    tpu.enqueue_dma source(%dma_start3A_9 : memref<32x1024xf32, #tpu.memory_space<hbm>>) target(%arg5 : memref<32x1024xf32, #tpu.memory_space<vmem>>) target_semaphore(%arg8 : memref<!tpu.dma_semaphore, #tpu.memory_space<semaphore_mem>>)
    %add3A_10 = arith.constant 8192 : i32
    %add3A_11 = arith.addi %add3A_10, %mul3A_2 : i32
    %add3A_12 = arith.constant 0 : i32
    %add3A_13 = arith.addi %add3A_11, %add3A_12 : i32
    %dma_start3A_14 = arith.constant 0 : i32
    %dma_start3A_15 = tpu.memref_slice %arg2[%add3A_13, %dma_start3A_14] : memref<32768x1024xf32, #tpu.memory_space<hbm>> -> memref<32x1024xf32, #tpu.memory_space<hbm>>
    %dma_start3A_16 = arith.constant 0 : i32
    %dma_start3A_17 = tpu.memref_slice %arg2[%add3A_13, %dma_start3A_16] : memref<32768x1024xf32, #tpu.memory_space<hbm>> -> memref<32x1024xf32, #tpu.memory_space<hbm>>
    tpu.enqueue_dma source(%dma_start3A_17 : memref<32x1024xf32, #tpu.memory_space<hbm>>) target(%arg6 : memref<32x1024xf32, #tpu.memory_space<vmem>>) target_semaphore(%arg9 : memref<!tpu.dma_semaphore, #tpu.memory_space<semaphore_mem>>)
    %scan3A = arith.constant 0 : i32
    %scan3A_18 = arith.constant 0 : i32
    %scan3A_19 = arith.constant 8 : i32
    %scan3A_20 = arith.addi %scan3A_18, %scan3A_19 : i32
    %scan3A_21 = arith.constant 1 : i32
    scf.for %scan3A_23 = %scan3A_18 to %scan3A_20 step %scan3A_21  : i32 {
      %mul3A_24 = arith.constant 32 : i32
      %mul3A_25 = arith.muli %scan3A_23, %mul3A_24 : i32
      %add3A_26 = arith.addi %mul3A_2, %mul3A_25 : i32
      "tpu.region"() ({
        %run_scoped3A = tpu.sem_alloc : memref<!tpu.dma_semaphore, #tpu.memory_space<semaphore_mem>>
        %dma_start3A_119 = arith.constant 0 : i32
        %dma_start3A_120 = tpu.memref_slice %arg3[%add3A_26, %dma_start3A_119] : memref<8192x1024xf32, #tpu.memory_space<hbm>> -> memref<32x1024xf32, #tpu.memory_space<hbm>>
        %dma_start3A_121 = arith.constant 0 : i32
        %dma_start3A_122 = tpu.memref_slice %arg3[%add3A_26, %dma_start3A_121] : memref<8192x1024xf32, #tpu.memory_space<hbm>> -> memref<32x1024xf32, #tpu.memory_space<hbm>>
        tpu.enqueue_dma source(%dma_start3A_122 : memref<32x1024xf32, #tpu.memory_space<hbm>>) target(%arg7 : memref<32x1024xf32, #tpu.memory_space<vmem>>) target_semaphore(%run_scoped3A : memref<!tpu.dma_semaphore, #tpu.memory_space<semaphore_mem>>)
        %dma_wait3A_123 = arith.constant 0 : i32
        %dma_wait3A_124 = tpu.memref_slice %arg3[%add3A_26, %dma_wait3A_123] : memref<8192x1024xf32, #tpu.memory_space<hbm>> -> memref<32x1024xf32, #tpu.memory_space<hbm>>
        %dma_wait3A_125 = arith.constant 0 : i32
        %dma_wait3A_126 = tpu.memref_slice %arg3[%add3A_26, %dma_wait3A_125] : memref<8192x1024xf32, #tpu.memory_space<hbm>> -> memref<32x1024xf32, #tpu.memory_space<hbm>>
        tpu.wait_dma2 semaphore(%run_scoped3A : memref<!tpu.dma_semaphore, #tpu.memory_space<semaphore_mem>>) src(%dma_wait3A_126 : memref<32x1024xf32, #tpu.memory_space<hbm>>) dst(%arg7 : memref<32x1024xf32, #tpu.memory_space<vmem>>)
        tpu.yield
      }) : () -> ()
      %dma_wait3A = arith.constant 0 : i32
      %dma_wait3A_27 = arith.constant 0 : i32
      %dma_wait3A_28 = tpu.memref_slice %arg2[%dma_wait3A, %dma_wait3A_27] : memref<32768x1024xf32, #tpu.memory_space<hbm>> -> memref<32x1024xf32, #tpu.memory_space<hbm>>
      %dma_wait3A_29 = arith.constant 0 : i32
      %dma_wait3A_30 = arith.constant 0 : i32
      %dma_wait3A_31 = tpu.memref_slice %arg2[%dma_wait3A_29, %dma_wait3A_30] : memref<32768x1024xf32, #tpu.memory_space<hbm>> -> memref<32x1024xf32, #tpu.memory_space<hbm>>
      tpu.wait_dma2 semaphore(%arg8 : memref<!tpu.dma_semaphore, #tpu.memory_space<semaphore_mem>>) src(%dma_wait3A_31 : memref<32x1024xf32, #tpu.memory_space<hbm>>) dst(%arg5 : memref<32x1024xf32, #tpu.memory_space<vmem>>)
      %scan3A_32 = arith.constant 0 : i32
      %scan3A_33 = arith.constant 0 : i32
      %scan3A_34 = arith.constant 32 : i32
      %scan3A_35 = arith.addi %scan3A_33, %scan3A_34 : i32
      %scan3A_36 = arith.constant 1 : i32
      scf.for %scan3A_119 = %scan3A_33 to %scan3A_35 step %scan3A_36  : i32 {
        %scan3A_120 = arith.constant 0 : i32
        %scan3A_121 = arith.constant 0 : i32
        %scan3A_122 = arith.constant 64 : i32
        %scan3A_123 = arith.addi %scan3A_121, %scan3A_122 : i32
        %scan3A_124 = arith.constant 8 : i32
        scf.for %scan3A_126 = %scan3A_121 to %scan3A_123 step %scan3A_124  : i32 {
          %mul3A_127 = arith.constant 16 : i32
          %mul3A_128 = arith.muli %scan3A_126, %mul3A_127 : i32
          %get3A = arith.index_cast %scan3A_119 : i32 to index
          %get3A_129 = arith.index_cast %mul3A_128 : i32 to index
          %get3A_130 = tpu.vector_load %arg5[%get3A, %get3A_129] {strides = array<i32>} : memref<32x1024xf32, #tpu.memory_space<vmem>>, vector<1x16xf32>,
          %get3A_131 = vector.shape_cast %get3A_130 : vector<1x16xf32> to vector<16xf32>
          %get3A_132 = arith.index_cast %scan3A_119 : i32 to index
          %get3A_133 = arith.index_cast %mul3A_128 : i32 to index
          %get3A_134 = tpu.vector_load %arg7[%get3A_132, %get3A_133] {strides = array<i32>} : memref<32x1024xf32, #tpu.memory_space<vmem>>, vector<1x16xf32>,
          %get3A_135 = vector.shape_cast %get3A_134 : vector<1x16xf32> to vector<16xf32>
          %add3A_136 = arith.addf %get3A_131, %get3A_135 : vector<16xf32>
          %swap3A = arith.index_cast %scan3A_119 : i32 to index
          %swap3A_137 = arith.index_cast %mul3A_128 : i32 to index
          %swap3A_138 = tpu.vector_load %arg5[%swap3A, %swap3A_137] {strides = array<i32>} : memref<32x1024xf32, #tpu.memory_space<vmem>>, vector<1x16xf32>,
          %swap3A_139 = vector.shape_cast %swap3A_138 : vector<1x16xf32> to vector<16xf32>
          %swap3A_140 = vector.shape_cast %add3A_136 : vector<16xf32> to vector<1x16xf32>
          tpu.vector_store %arg5[%swap3A, %swap3A_137], %swap3A_140 {strides = array<i32>} : memref<32x1024xf32, #tpu.memory_space<vmem>>, vector<1x16xf32>,
          %scan3A_141 = arith.constant 1 : i32
          %scan3A_142 = arith.addi %scan3A_126, %scan3A_141 : i32
          %mul3A_143 = arith.constant 16 : i32
          %mul3A_144 = arith.muli %scan3A_142, %mul3A_143 : i32
          %get3A_145 = arith.index_cast %scan3A_119 : i32 to index
          %get3A_146 = arith.index_cast %mul3A_144 : i32 to index
          %get3A_147 = tpu.vector_load %arg5[%get3A_145, %get3A_146] {strides = array<i32>} : memref<32x1024xf32, #tpu.memory_space<vmem>>, vector<1x16xf32>,
          %get3A_148 = vector.shape_cast %get3A_147 : vector<1x16xf32> to vector<16xf32>
          %get3A_149 = arith.index_cast %scan3A_119 : i32 to index
          %get3A_150 = arith.index_cast %mul3A_144 : i32 to index
          %get3A_151 = tpu.vector_load %arg7[%get3A_149, %get3A_150] {strides = array<i32>} : memref<32x1024xf32, #tpu.memory_space<vmem>>, vector<1x16xf32>,
          %get3A_152 = vector.shape_cast %get3A_151 : vector<1x16xf32> to vector<16xf32>
          %add3A_153 = arith.addf %get3A_148, %get3A_152 : vector<16xf32>
          %swap3A_154 = arith.index_cast %scan3A_119 : i32 to index
          %swap3A_155 = arith.index_cast %mul3A_144 : i32 to index
          %swap3A_156 = tpu.vector_load %arg5[%swap3A_154, %swap3A_155] {strides = array<i32>} : memref<32x1024xf32, #tpu.memory_space<vmem>>, vector<1x16xf32>,
          %swap3A_157 = vector.shape_cast %swap3A_156 : vector<1x16xf32> to vector<16xf32>
          %swap3A_158 = vector.shape_cast %add3A_153 : vector<16xf32> to vector<1x16xf32>
          tpu.vector_store %arg5[%swap3A_154, %swap3A_155], %swap3A_158 {strides = array<i32>} : memref<32x1024xf32, #tpu.memory_space<vmem>>, vector<1x16xf32>,
          %scan3A_159 = arith.constant 2 : i32
          %scan3A_160 = arith.addi %scan3A_126, %scan3A_159 : i32
          %mul3A_161 = arith.constant 16 : i32
          %mul3A_162 = arith.muli %scan3A_160, %mul3A_161 : i32
          %get3A_163 = arith.index_cast %scan3A_119 : i32 to index
          %get3A_164 = arith.index_cast %mul3A_162 : i32 to index
          %get3A_165 = tpu.vector_load %arg5[%get3A_163, %get3A_164] {strides = array<i32>} : memref<32x1024xf32, #tpu.memory_space<vmem>>, vector<1x16xf32>,
          %get3A_166 = vector.shape_cast %get3A_165 : vector<1x16xf32> to vector<16xf32>
          %get3A_167 = arith.index_cast %scan3A_119 : i32 to index
          %get3A_168 = arith.index_cast %mul3A_162 : i32 to index
          %get3A_169 = tpu.vector_load %arg7[%get3A_167, %get3A_168] {strides = array<i32>} : memref<32x1024xf32, #tpu.memory_space<vmem>>, vector<1x16xf32>,
          %get3A_170 = vector.shape_cast %get3A_169 : vector<1x16xf32> to vector<16xf32>
          %add3A_171 = arith.addf %get3A_166, %get3A_170 : vector<16xf32>
          %swap3A_172 = arith.index_cast %scan3A_119 : i32 to index
          %swap3A_173 = arith.index_cast %mul3A_162 : i32 to index
          %swap3A_174 = tpu.vector_load %arg5[%swap3A_172, %swap3A_173] {strides = array<i32>} : memref<32x1024xf32, #tpu.memory_space<vmem>>, vector<1x16xf32>,
          %swap3A_175 = vector.shape_cast %swap3A_174 : vector<1x16xf32> to vector<16xf32>
          %swap3A_176 = vector.shape_cast %add3A_171 : vector<16xf32> to vector<1x16xf32>
          tpu.vector_store %arg5[%swap3A_172, %swap3A_173], %swap3A_176 {strides = array<i32>} : memref<32x1024xf32, #tpu.memory_space<vmem>>, vector<1x16xf32>,
          %scan3A_177 = arith.constant 3 : i32
          %scan3A_178 = arith.addi %scan3A_126, %scan3A_177 : i32
          %mul3A_179 = arith.constant 16 : i32
          %mul3A_180 = arith.muli %scan3A_178, %mul3A_179 : i32
          %get3A_181 = arith.index_cast %scan3A_119 : i32 to index
          %get3A_182 = arith.index_cast %mul3A_180 : i32 to index
          %get3A_183 = tpu.vector_load %arg5[%get3A_181, %get3A_182] {strides = array<i32>} : memref<32x1024xf32, #tpu.memory_space<vmem>>, vector<1x16xf32>,
          %get3A_184 = vector.shape_cast %get3A_183 : vector<1x16xf32> to vector<16xf32>
          %get3A_185 = arith.index_cast %scan3A_119 : i32 to index
          %get3A_186 = arith.index_cast %mul3A_180 : i32 to index
          %get3A_187 = tpu.vector_load %arg7[%get3A_185, %get3A_186] {strides = array<i32>} : memref<32x1024xf32, #tpu.memory_space<vmem>>, vector<1x16xf32>,
          %get3A_188 = vector.shape_cast %get3A_187 : vector<1x16xf32> to vector<16xf32>
          %add3A_189 = arith.addf %get3A_184, %get3A_188 : vector<16xf32>
          %swap3A_190 = arith.index_cast %scan3A_119 : i32 to index
          %swap3A_191 = arith.index_cast %mul3A_180 : i32 to index
          %swap3A_192 = tpu.vector_load %arg5[%swap3A_190, %swap3A_191] {strides = array<i32>} : memref<32x1024xf32, #tpu.memory_space<vmem>>, vector<1x16xf32>,
          %swap3A_193 = vector.shape_cast %swap3A_192 : vector<1x16xf32> to vector<16xf32>
          %swap3A_194 = vector.shape_cast %add3A_189 : vector<16xf32> to vector<1x16xf32>
          tpu.vector_store %arg5[%swap3A_190, %swap3A_191], %swap3A_194 {strides = array<i32>} : memref<32x1024xf32, #tpu.memory_space<vmem>>, vector<1x16xf32>,
          %scan3A_195 = arith.constant 4 : i32
          %scan3A_196 = arith.addi %scan3A_126, %scan3A_195 : i32
          %mul3A_197 = arith.constant 16 : i32
          %mul3A_198 = arith.muli %scan3A_196, %mul3A_197 : i32
          %get3A_199 = arith.index_cast %scan3A_119 : i32 to index
          %get3A_200 = arith.index_cast %mul3A_198 : i32 to index
          %get3A_201 = tpu.vector_load %arg5[%get3A_199, %get3A_200] {strides = array<i32>} : memref<32x1024xf32, #tpu.memory_space<vmem>>, vector<1x16xf32>,
          %get3A_202 = vector.shape_cast %get3A_201 : vector<1x16xf32> to vector<16xf32>
          %get3A_203 = arith.index_cast %scan3A_119 : i32 to index
          %get3A_204 = arith.index_cast %mul3A_198 : i32 to index
          %get3A_205 = tpu.vector_load %arg7[%get3A_203, %get3A_204] {strides = array<i32>} : memref<32x1024xf32, #tpu.memory_space<vmem>>, vector<1x16xf32>,
          %get3A_206 = vector.shape_cast %get3A_205 : vector<1x16xf32> to vector<16xf32>
          %add3A_207 = arith.addf %get3A_202, %get3A_206 : vector<16xf32>
          %swap3A_208 = arith.index_cast %scan3A_119 : i32 to index
          %swap3A_209 = arith.index_cast %mul3A_198 : i32 to index
          %swap3A_210 = tpu.vector_load %arg5[%swap3A_208, %swap3A_209] {strides = array<i32>} : memref<32x1024xf32, #tpu.memory_space<vmem>>, vector<1x16xf32>,
          %swap3A_211 = vector.shape_cast %swap3A_210 : vector<1x16xf32> to vector<16xf32>
          %swap3A_212 = vector.shape_cast %add3A_207 : vector<16xf32> to vector<1x16xf32>
          tpu.vector_store %arg5[%swap3A_208, %swap3A_209], %swap3A_212 {strides = array<i32>} : memref<32x1024xf32, #tpu.memory_space<vmem>>, vector<1x16xf32>,
          %scan3A_213 = arith.constant 5 : i32
          %scan3A_214 = arith.addi %scan3A_126, %scan3A_213 : i32
          %mul3A_215 = arith.constant 16 : i32
          %mul3A_216 = arith.muli %scan3A_214, %mul3A_215 : i32
          %get3A_217 = arith.index_cast %scan3A_119 : i32 to index
          %get3A_218 = arith.index_cast %mul3A_216 : i32 to index
          %get3A_219 = tpu.vector_load %arg5[%get3A_217, %get3A_218] {strides = array<i32>} : memref<32x1024xf32, #tpu.memory_space<vmem>>, vector<1x16xf32>,
          %get3A_220 = vector.shape_cast %get3A_219 : vector<1x16xf32> to vector<16xf32>
          %get3A_221 = arith.index_cast %scan3A_119 : i32 to index
          %get3A_222 = arith.index_cast %mul3A_216 : i32 to index
          %get3A_223 = tpu.vector_load %arg7[%get3A_221, %get3A_222] {strides = array<i32>} : memref<32x1024xf32, #tpu.memory_space<vmem>>, vector<1x16xf32>,
          %get3A_224 = vector.shape_cast %get3A_223 : vector<1x16xf32> to vector<16xf32>
          %add3A_225 = arith.addf %get3A_220, %get3A_224 : vector<16xf32>
          %swap3A_226 = arith.index_cast %scan3A_119 : i32 to index
          %swap3A_227 = arith.index_cast %mul3A_216 : i32 to index
          %swap3A_228 = tpu.vector_load %arg5[%swap3A_226, %swap3A_227] {strides = array<i32>} : memref<32x1024xf32, #tpu.memory_space<vmem>>, vector<1x16xf32>,
          %swap3A_229 = vector.shape_cast %swap3A_228 : vector<1x16xf32> to vector<16xf32>
          %swap3A_230 = vector.shape_cast %add3A_225 : vector<16xf32> to vector<1x16xf32>
          tpu.vector_store %arg5[%swap3A_226, %swap3A_227], %swap3A_230 {strides = array<i32>} : memref<32x1024xf32, #tpu.memory_space<vmem>>, vector<1x16xf32>,
          %scan3A_231 = arith.constant 6 : i32
          %scan3A_232 = arith.addi %scan3A_126, %scan3A_231 : i32
          %mul3A_233 = arith.constant 16 : i32
          %mul3A_234 = arith.muli %scan3A_232, %mul3A_233 : i32
          %get3A_235 = arith.index_cast %scan3A_119 : i32 to index
          %get3A_236 = arith.index_cast %mul3A_234 : i32 to index
          %get3A_237 = tpu.vector_load %arg5[%get3A_235, %get3A_236] {strides = array<i32>} : memref<32x1024xf32, #tpu.memory_space<vmem>>, vector<1x16xf32>,
          %get3A_238 = vector.shape_cast %get3A_237 : vector<1x16xf32> to vector<16xf32>
          %get3A_239 = arith.index_cast %scan3A_119 : i32 to index
          %get3A_240 = arith.index_cast %mul3A_234 : i32 to index
          %get3A_241 = tpu.vector_load %arg7[%get3A_239, %get3A_240] {strides = array<i32>} : memref<32x1024xf32, #tpu.memory_space<vmem>>, vector<1x16xf32>,
          %get3A_242 = vector.shape_cast %get3A_241 : vector<1x16xf32> to vector<16xf32>
          %add3A_243 = arith.addf %get3A_238, %get3A_242 : vector<16xf32>
          %swap3A_244 = arith.index_cast %scan3A_119 : i32 to index
          %swap3A_245 = arith.index_cast %mul3A_234 : i32 to index
          %swap3A_246 = tpu.vector_load %arg5[%swap3A_244, %swap3A_245] {strides = array<i32>} : memref<32x1024xf32, #tpu.memory_space<vmem>>, vector<1x16xf32>,
          %swap3A_247 = vector.shape_cast %swap3A_246 : vector<1x16xf32> to vector<16xf32>
          %swap3A_248 = vector.shape_cast %add3A_243 : vector<16xf32> to vector<1x16xf32>
          tpu.vector_store %arg5[%swap3A_244, %swap3A_245], %swap3A_248 {strides = array<i32>} : memref<32x1024xf32, #tpu.memory_space<vmem>>, vector<1x16xf32>,
          %scan3A_249 = arith.constant 7 : i32
          %scan3A_250 = arith.addi %scan3A_126, %scan3A_249 : i32
          %mul3A_251 = arith.constant 16 : i32
          %mul3A_252 = arith.muli %scan3A_250, %mul3A_251 : i32
          %get3A_253 = arith.index_cast %scan3A_119 : i32 to index
          %get3A_254 = arith.index_cast %mul3A_252 : i32 to index
          %get3A_255 = tpu.vector_load %arg5[%get3A_253, %get3A_254] {strides = array<i32>} : memref<32x1024xf32, #tpu.memory_space<vmem>>, vector<1x16xf32>,
          %get3A_256 = vector.shape_cast %get3A_255 : vector<1x16xf32> to vector<16xf32>
          %get3A_257 = arith.index_cast %scan3A_119 : i32 to index
          %get3A_258 = arith.index_cast %mul3A_252 : i32 to index
          %get3A_259 = tpu.vector_load %arg7[%get3A_257, %get3A_258] {strides = array<i32>} : memref<32x1024xf32, #tpu.memory_space<vmem>>, vector<1x16xf32>,
          %get3A_260 = vector.shape_cast %get3A_259 : vector<1x16xf32> to vector<16xf32>
          %add3A_261 = arith.addf %get3A_256, %get3A_260 : vector<16xf32>
          %swap3A_262 = arith.index_cast %scan3A_119 : i32 to index
          %swap3A_263 = arith.index_cast %mul3A_252 : i32 to index
          %swap3A_264 = tpu.vector_load %arg5[%swap3A_262, %swap3A_263] {strides = array<i32>} : memref<32x1024xf32, #tpu.memory_space<vmem>>, vector<1x16xf32>,
          %swap3A_265 = vector.shape_cast %swap3A_264 : vector<1x16xf32> to vector<16xf32>
          %swap3A_266 = vector.shape_cast %add3A_261 : vector<16xf32> to vector<1x16xf32>
          tpu.vector_store %arg5[%swap3A_262, %swap3A_263], %swap3A_266 {strides = array<i32>} : memref<32x1024xf32, #tpu.memory_space<vmem>>, vector<1x16xf32>,
        }
        %scan3A_125 = arith.constant 64 : i32
      }
      %scan3A_37 = arith.constant 32 : i32
      %add3A_38 = arith.constant 0 : i32
      %add3A_39 = arith.addi %add3A_38, %mul3A_2 : i32
      %mul3A_40 = arith.constant 32 : i32
      %mul3A_41 = arith.muli %scan3A_23, %mul3A_40 : i32
      %add3A_42 = arith.addi %add3A_39, %mul3A_41 : i32
      "tpu.region"() ({
        %run_scoped3A = tpu.sem_alloc : memref<!tpu.dma_semaphore, #tpu.memory_space<semaphore_mem>>
        %dma_start3A_119 = arith.constant 0 : i32
        %dma_start3A_120 = tpu.memref_slice %arg4[%add3A_42, %dma_start3A_119] : memref<32768x1024xf32, #tpu.memory_space<hbm>> -> memref<32x1024xf32, #tpu.memory_space<hbm>>
        %dma_start3A_121 = arith.constant 0 : i32
        %dma_start3A_122 = tpu.memref_slice %arg4[%add3A_42, %dma_start3A_121] : memref<32768x1024xf32, #tpu.memory_space<hbm>> -> memref<32x1024xf32, #tpu.memory_space<hbm>>
        tpu.enqueue_dma source(%arg5 : memref<32x1024xf32, #tpu.memory_space<vmem>>) target(%dma_start3A_122 : memref<32x1024xf32, #tpu.memory_space<hbm>>) target_semaphore(%run_scoped3A : memref<!tpu.dma_semaphore, #tpu.memory_space<semaphore_mem>>)
        %dma_wait3A_123 = arith.constant 0 : i32
        %dma_wait3A_124 = tpu.memref_slice %arg4[%add3A_42, %dma_wait3A_123] : memref<32768x1024xf32, #tpu.memory_space<hbm>> -> memref<32x1024xf32, #tpu.memory_space<hbm>>
        %dma_wait3A_125 = arith.constant 0 : i32
        %dma_wait3A_126 = tpu.memref_slice %arg4[%add3A_42, %dma_wait3A_125] : memref<32768x1024xf32, #tpu.memory_space<hbm>> -> memref<32x1024xf32, #tpu.memory_space<hbm>>
        tpu.wait_dma2 semaphore(%run_scoped3A : memref<!tpu.dma_semaphore, #tpu.memory_space<semaphore_mem>>) src(%arg5 : memref<32x1024xf32, #tpu.memory_space<vmem>>) dst(%dma_wait3A_126 : memref<32x1024xf32, #tpu.memory_space<hbm>>)
        tpu.yield
      }) : () -> ()
      %add3A_43 = arith.constant 16384 : i32
      %add3A_44 = arith.addi %add3A_43, %mul3A_2 : i32
      %mul3A_45 = arith.constant 32 : i32
      %mul3A_46 = arith.muli %scan3A_23, %mul3A_45 : i32
      %add3A_47 = arith.addi %add3A_44, %mul3A_46 : i32
      %dma_start3A_48 = arith.constant 0 : i32
      %dma_start3A_49 = tpu.memref_slice %arg2[%add3A_47, %dma_start3A_48] : memref<32768x1024xf32, #tpu.memory_space<hbm>> -> memref<32x1024xf32, #tpu.memory_space<hbm>>
      %dma_start3A_50 = arith.constant 0 : i32
      %dma_start3A_51 = tpu.memref_slice %arg2[%add3A_47, %dma_start3A_50] : memref<32768x1024xf32, #tpu.memory_space<hbm>> -> memref<32x1024xf32, #tpu.memory_space<hbm>>
      tpu.enqueue_dma source(%dma_start3A_51 : memref<32x1024xf32, #tpu.memory_space<hbm>>) target(%arg5 : memref<32x1024xf32, #tpu.memory_space<vmem>>) target_semaphore(%arg8 : memref<!tpu.dma_semaphore, #tpu.memory_space<semaphore_mem>>)
      %dma_wait3A_52 = arith.constant 0 : i32
      %dma_wait3A_53 = arith.constant 0 : i32
      %dma_wait3A_54 = tpu.memref_slice %arg2[%dma_wait3A_52, %dma_wait3A_53] : memref<32768x1024xf32, #tpu.memory_space<hbm>> -> memref<32x1024xf32, #tpu.memory_space<hbm>>
      %dma_wait3A_55 = arith.constant 0 : i32
      %dma_wait3A_56 = arith.constant 0 : i32
      %dma_wait3A_57 = tpu.memref_slice %arg2[%dma_wait3A_55, %dma_wait3A_56] : memref<32768x1024xf32, #tpu.memory_space<hbm>> -> memref<32x1024xf32, #tpu.memory_space<hbm>>
      tpu.wait_dma2 semaphore(%arg9 : memref<!tpu.dma_semaphore, #tpu.memory_space<semaphore_mem>>) src(%dma_wait3A_57 : memref<32x1024xf32, #tpu.memory_space<hbm>>) dst(%arg6 : memref<32x1024xf32, #tpu.memory_space<vmem>>)
      %scan3A_58 = arith.constant 0 : i32
      %scan3A_59 = arith.constant 0 : i32
      %scan3A_60 = arith.constant 32 : i32
      %scan3A_61 = arith.addi %scan3A_59, %scan3A_60 : i32
      %scan3A_62 = arith.constant 1 : i32
      scf.for %scan3A_119 = %scan3A_59 to %scan3A_61 step %scan3A_62  : i32 {
        %scan3A_120 = arith.constant 0 : i32
        %scan3A_121 = arith.constant 0 : i32
        %scan3A_122 = arith.constant 64 : i32
        %scan3A_123 = arith.addi %scan3A_121, %scan3A_122 : i32
        %scan3A_124 = arith.constant 8 : i32
        scf.for %scan3A_126 = %scan3A_121 to %scan3A_123 step %scan3A_124  : i32 {
          %mul3A_127 = arith.constant 16 : i32
          %mul3A_128 = arith.muli %scan3A_126, %mul3A_127 : i32
          %get3A = arith.index_cast %scan3A_119 : i32 to index
          %get3A_129 = arith.index_cast %mul3A_128 : i32 to index
          %get3A_130 = tpu.vector_load %arg6[%get3A, %get3A_129] {strides = array<i32>} : memref<32x1024xf32, #tpu.memory_space<vmem>>, vector<1x16xf32>,
          %get3A_131 = vector.shape_cast %get3A_130 : vector<1x16xf32> to vector<16xf32>
          %get3A_132 = arith.index_cast %scan3A_119 : i32 to index
          %get3A_133 = arith.index_cast %mul3A_128 : i32 to index
          %get3A_134 = tpu.vector_load %arg7[%get3A_132, %get3A_133] {strides = array<i32>} : memref<32x1024xf32, #tpu.memory_space<vmem>>, vector<1x16xf32>,
          %get3A_135 = vector.shape_cast %get3A_134 : vector<1x16xf32> to vector<16xf32>
          %add3A_136 = arith.addf %get3A_131, %get3A_135 : vector<16xf32>
          %swap3A = arith.index_cast %scan3A_119 : i32 to index
          %swap3A_137 = arith.index_cast %mul3A_128 : i32 to index
          %swap3A_138 = tpu.vector_load %arg6[%swap3A, %swap3A_137] {strides = array<i32>} : memref<32x1024xf32, #tpu.memory_space<vmem>>, vector<1x16xf32>,
          %swap3A_139 = vector.shape_cast %swap3A_138 : vector<1x16xf32> to vector<16xf32>
          %swap3A_140 = vector.shape_cast %add3A_136 : vector<16xf32> to vector<1x16xf32>
          tpu.vector_store %arg6[%swap3A, %swap3A_137], %swap3A_140 {strides = array<i32>} : memref<32x1024xf32, #tpu.memory_space<vmem>>, vector<1x16xf32>,
          %scan3A_141 = arith.constant 1 : i32
          %scan3A_142 = arith.addi %scan3A_126, %scan3A_141 : i32
          %mul3A_143 = arith.constant 16 : i32
          %mul3A_144 = arith.muli %scan3A_142, %mul3A_143 : i32
          %get3A_145 = arith.index_cast %scan3A_119 : i32 to index
          %get3A_146 = arith.index_cast %mul3A_144 : i32 to index
          %get3A_147 = tpu.vector_load %arg6[%get3A_145, %get3A_146] {strides = array<i32>} : memref<32x1024xf32, #tpu.memory_space<vmem>>, vector<1x16xf32>,
          %get3A_148 = vector.shape_cast %get3A_147 : vector<1x16xf32> to vector<16xf32>
          %get3A_149 = arith.index_cast %scan3A_119 : i32 to index
          %get3A_150 = arith.index_cast %mul3A_144 : i32 to index
          %get3A_151 = tpu.vector_load %arg7[%get3A_149, %get3A_150] {strides = array<i32>} : memref<32x1024xf32, #tpu.memory_space<vmem>>, vector<1x16xf32>,
          %get3A_152 = vector.shape_cast %get3A_151 : vector<1x16xf32> to vector<16xf32>
          %add3A_153 = arith.addf %get3A_148, %get3A_152 : vector<16xf32>
          %swap3A_154 = arith.index_cast %scan3A_119 : i32 to index
          %swap3A_155 = arith.index_cast %mul3A_144 : i32 to index
          %swap3A_156 = tpu.vector_load %arg6[%swap3A_154, %swap3A_155] {strides = array<i32>} : memref<32x1024xf32, #tpu.memory_space<vmem>>, vector<1x16xf32>,
          %swap3A_157 = vector.shape_cast %swap3A_156 : vector<1x16xf32> to vector<16xf32>
          %swap3A_158 = vector.shape_cast %add3A_153 : vector<16xf32> to vector<1x16xf32>
          tpu.vector_store %arg6[%swap3A_154, %swap3A_155], %swap3A_158 {strides = array<i32>} : memref<32x1024xf32, #tpu.memory_space<vmem>>, vector<1x16xf32>,
          %scan3A_159 = arith.constant 2 : i32
          %scan3A_160 = arith.addi %scan3A_126, %scan3A_159 : i32
          %mul3A_161 = arith.constant 16 : i32
          %mul3A_162 = arith.muli %scan3A_160, %mul3A_161 : i32
          %get3A_163 = arith.index_cast %scan3A_119 : i32 to index
          %get3A_164 = arith.index_cast %mul3A_162 : i32 to index
          %get3A_165 = tpu.vector_load %arg6[%get3A_163, %get3A_164] {strides = array<i32>} : memref<32x1024xf32, #tpu.memory_space<vmem>>, vector<1x16xf32>,
          %get3A_166 = vector.shape_cast %get3A_165 : vector<1x16xf32> to vector<16xf32>
          %get3A_167 = arith.index_cast %scan3A_119 : i32 to index
          %get3A_168 = arith.index_cast %mul3A_162 : i32 to index
          %get3A_169 = tpu.vector_load %arg7[%get3A_167, %get3A_168] {strides = array<i32>} : memref<32x1024xf32, #tpu.memory_space<vmem>>, vector<1x16xf32>,
          %get3A_170 = vector.shape_cast %get3A_169 : vector<1x16xf32> to vector<16xf32>
          %add3A_171 = arith.addf %get3A_166, %get3A_170 : vector<16xf32>
          %swap3A_172 = arith.index_cast %scan3A_119 : i32 to index
          %swap3A_173 = arith.index_cast %mul3A_162 : i32 to index
          %swap3A_174 = tpu.vector_load %arg6[%swap3A_172, %swap3A_173] {strides = array<i32>} : memref<32x1024xf32, #tpu.memory_space<vmem>>, vector<1x16xf32>,
          %swap3A_175 = vector.shape_cast %swap3A_174 : vector<1x16xf32> to vector<16xf32>
          %swap3A_176 = vector.shape_cast %add3A_171 : vector<16xf32> to vector<1x16xf32>
          tpu.vector_store %arg6[%swap3A_172, %swap3A_173], %swap3A_176 {strides = array<i32>} : memref<32x1024xf32, #tpu.memory_space<vmem>>, vector<1x16xf32>,
          %scan3A_177 = arith.constant 3 : i32
          %scan3A_178 = arith.addi %scan3A_126, %scan3A_177 : i32
          %mul3A_179 = arith.constant 16 : i32
          %mul3A_180 = arith.muli %scan3A_178, %mul3A_179 : i32
          %get3A_181 = arith.index_cast %scan3A_119 : i32 to index
          %get3A_182 = arith.index_cast %mul3A_180 : i32 to index
          %get3A_183 = tpu.vector_load %arg6[%get3A_181, %get3A_182] {strides = array<i32>} : memref<32x1024xf32, #tpu.memory_space<vmem>>, vector<1x16xf32>,
          %get3A_184 = vector.shape_cast %get3A_183 : vector<1x16xf32> to vector<16xf32>
          %get3A_185 = arith.index_cast %scan3A_119 : i32 to index
          %get3A_186 = arith.index_cast %mul3A_180 : i32 to index
          %get3A_187 = tpu.vector_load %arg7[%get3A_185, %get3A_186] {strides = array<i32>} : memref<32x1024xf32, #tpu.memory_space<vmem>>, vector<1x16xf32>,
          %get3A_188 = vector.shape_cast %get3A_187 : vector<1x16xf32> to vector<16xf32>
          %add3A_189 = arith.addf %get3A_184, %get3A_188 : vector<16xf32>
          %swap3A_190 = arith.index_cast %scan3A_119 : i32 to index
          %swap3A_191 = arith.index_cast %mul3A_180 : i32 to index
          %swap3A_192 = tpu.vector_load %arg6[%swap3A_190, %swap3A_191] {strides = array<i32>} : memref<32x1024xf32, #tpu.memory_space<vmem>>, vector<1x16xf32>,
          %swap3A_193 = vector.shape_cast %swap3A_192 : vector<1x16xf32> to vector<16xf32>
          %swap3A_194 = vector.shape_cast %add3A_189 : vector<16xf32> to vector<1x16xf32>
          tpu.vector_store %arg6[%swap3A_190, %swap3A_191], %swap3A_194 {strides = array<i32>} : memref<32x1024xf32, #tpu.memory_space<vmem>>, vector<1x16xf32>,
          %scan3A_195 = arith.constant 4 : i32
          %scan3A_196 = arith.addi %scan3A_126, %scan3A_195 : i32
          %mul3A_197 = arith.constant 16 : i32
          %mul3A_198 = arith.muli %scan3A_196, %mul3A_197 : i32
          %get3A_199 = arith.index_cast %scan3A_119 : i32 to index
          %get3A_200 = arith.index_cast %mul3A_198 : i32 to index
          %get3A_201 = tpu.vector_load %arg6[%get3A_199, %get3A_200] {strides = array<i32>} : memref<32x1024xf32, #tpu.memory_space<vmem>>, vector<1x16xf32>,
          %get3A_202 = vector.shape_cast %get3A_201 : vector<1x16xf32> to vector<16xf32>
          %get3A_203 = arith.index_cast %scan3A_119 : i32 to index
          %get3A_204 = arith.index_cast %mul3A_198 : i32 to index
          %get3A_205 = tpu.vector_load %arg7[%get3A_203, %get3A_204] {strides = array<i32>} : memref<32x1024xf32, #tpu.memory_space<vmem>>, vector<1x16xf32>,
          %get3A_206 = vector.shape_cast %get3A_205 : vector<1x16xf32> to vector<16xf32>
          %add3A_207 = arith.addf %get3A_202, %get3A_206 : vector<16xf32>
          %swap3A_208 = arith.index_cast %scan3A_119 : i32 to index
          %swap3A_209 = arith.index_cast %mul3A_198 : i32 to index
          %swap3A_210 = tpu.vector_load %arg6[%swap3A_208, %swap3A_209] {strides = array<i32>} : memref<32x1024xf32, #tpu.memory_space<vmem>>, vector<1x16xf32>,
          %swap3A_211 = vector.shape_cast %swap3A_210 : vector<1x16xf32> to vector<16xf32>
          %swap3A_212 = vector.shape_cast %add3A_207 : vector<16xf32> to vector<1x16xf32>
          tpu.vector_store %arg6[%swap3A_208, %swap3A_209], %swap3A_212 {strides = array<i32>} : memref<32x1024xf32, #tpu.memory_space<vmem>>, vector<1x16xf32>,
          %scan3A_213 = arith.constant 5 : i32
          %scan3A_214 = arith.addi %scan3A_126, %scan3A_213 : i32
          %mul3A_215 = arith.constant 16 : i32
          %mul3A_216 = arith.muli %scan3A_214, %mul3A_215 : i32
          %get3A_217 = arith.index_cast %scan3A_119 : i32 to index
          %get3A_218 = arith.index_cast %mul3A_216 : i32 to index
          %get3A_219 = tpu.vector_load %arg6[%get3A_217, %get3A_218] {strides = array<i32>} : memref<32x1024xf32, #tpu.memory_space<vmem>>, vector<1x16xf32>,
          %get3A_220 = vector.shape_cast %get3A_219 : vector<1x16xf32> to vector<16xf32>
          %get3A_221 = arith.index_cast %scan3A_119 : i32 to index
          %get3A_222 = arith.index_cast %mul3A_216 : i32 to index
          %get3A_223 = tpu.vector_load %arg7[%get3A_221, %get3A_222] {strides = array<i32>} : memref<32x1024xf32, #tpu.memory_space<vmem>>, vector<1x16xf32>,
          %get3A_224 = vector.shape_cast %get3A_223 : vector<1x16xf32> to vector<16xf32>
          %add3A_225 = arith.addf %get3A_220, %get3A_224 : vector<16xf32>
          %swap3A_226 = arith.index_cast %scan3A_119 : i32 to index
          %swap3A_227 = arith.index_cast %mul3A_216 : i32 to index
          %swap3A_228 = tpu.vector_load %arg6[%swap3A_226, %swap3A_227] {strides = array<i32>} : memref<32x1024xf32, #tpu.memory_space<vmem>>, vector<1x16xf32>,
          %swap3A_229 = vector.shape_cast %swap3A_228 : vector<1x16xf32> to vector<16xf32>
          %swap3A_230 = vector.shape_cast %add3A_225 : vector<16xf32> to vector<1x16xf32>
          tpu.vector_store %arg6[%swap3A_226, %swap3A_227], %swap3A_230 {strides = array<i32>} : memref<32x1024xf32, #tpu.memory_space<vmem>>, vector<1x16xf32>,
          %scan3A_231 = arith.constant 6 : i32
          %scan3A_232 = arith.addi %scan3A_126, %scan3A_231 : i32
          %mul3A_233 = arith.constant 16 : i32
          %mul3A_234 = arith.muli %scan3A_232, %mul3A_233 : i32
          %get3A_235 = arith.index_cast %scan3A_119 : i32 to index
          %get3A_236 = arith.index_cast %mul3A_234 : i32 to index
          %get3A_237 = tpu.vector_load %arg6[%get3A_235, %get3A_236] {strides = array<i32>} : memref<32x1024xf32, #tpu.memory_space<vmem>>, vector<1x16xf32>,
          %get3A_238 = vector.shape_cast %get3A_237 : vector<1x16xf32> to vector<16xf32>
          %get3A_239 = arith.index_cast %scan3A_119 : i32 to index
          %get3A_240 = arith.index_cast %mul3A_234 : i32 to index
          %get3A_241 = tpu.vector_load %arg7[%get3A_239, %get3A_240] {strides = array<i32>} : memref<32x1024xf32, #tpu.memory_space<vmem>>, vector<1x16xf32>,
          %get3A_242 = vector.shape_cast %get3A_241 : vector<1x16xf32> to vector<16xf32>
          %add3A_243 = arith.addf %get3A_238, %get3A_242 : vector<16xf32>
          %swap3A_244 = arith.index_cast %scan3A_119 : i32 to index
          %swap3A_245 = arith.index_cast %mul3A_234 : i32 to index
          %swap3A_246 = tpu.vector_load %arg6[%swap3A_244, %swap3A_245] {strides = array<i32>} : memref<32x1024xf32, #tpu.memory_space<vmem>>, vector<1x16xf32>,
          %swap3A_247 = vector.shape_cast %swap3A_246 : vector<1x16xf32> to vector<16xf32>
          %swap3A_248 = vector.shape_cast %add3A_243 : vector<16xf32> to vector<1x16xf32>
          tpu.vector_store %arg6[%swap3A_244, %swap3A_245], %swap3A_248 {strides = array<i32>} : memref<32x1024xf32, #tpu.memory_space<vmem>>, vector<1x16xf32>,
          %scan3A_249 = arith.constant 7 : i32
          %scan3A_250 = arith.addi %scan3A_126, %scan3A_249 : i32
          %mul3A_251 = arith.constant 16 : i32
          %mul3A_252 = arith.muli %scan3A_250, %mul3A_251 : i32
          %get3A_253 = arith.index_cast %scan3A_119 : i32 to index
          %get3A_254 = arith.index_cast %mul3A_252 : i32 to index
          %get3A_255 = tpu.vector_load %arg6[%get3A_253, %get3A_254] {strides = array<i32>} : memref<32x1024xf32, #tpu.memory_space<vmem>>, vector<1x16xf32>,
          %get3A_256 = vector.shape_cast %get3A_255 : vector<1x16xf32> to vector<16xf32>
          %get3A_257 = arith.index_cast %scan3A_119 : i32 to index
          %get3A_258 = arith.index_cast %mul3A_252 : i32 to index
          %get3A_259 = tpu.vector_load %arg7[%get3A_257, %get3A_258] {strides = array<i32>} : memref<32x1024xf32, #tpu.memory_space<vmem>>, vector<1x16xf32>,
          %get3A_260 = vector.shape_cast %get3A_259 : vector<1x16xf32> to vector<16xf32>
          %add3A_261 = arith.addf %get3A_256, %get3A_260 : vector<16xf32>
          %swap3A_262 = arith.index_cast %scan3A_119 : i32 to index
          %swap3A_263 = arith.index_cast %mul3A_252 : i32 to index
          %swap3A_264 = tpu.vector_load %arg6[%swap3A_262, %swap3A_263] {strides = array<i32>} : memref<32x1024xf32, #tpu.memory_space<vmem>>, vector<1x16xf32>,
          %swap3A_265 = vector.shape_cast %swap3A_264 : vector<1x16xf32> to vector<16xf32>
          %swap3A_266 = vector.shape_cast %add3A_261 : vector<16xf32> to vector<1x16xf32>
          tpu.vector_store %arg6[%swap3A_262, %swap3A_263], %swap3A_266 {strides = array<i32>} : memref<32x1024xf32, #tpu.memory_space<vmem>>, vector<1x16xf32>,
        }
        %scan3A_125 = arith.constant 64 : i32
      }
      %scan3A_63 = arith.constant 32 : i32
      %add3A_64 = arith.constant 8192 : i32
      %add3A_65 = arith.addi %add3A_64, %mul3A_2 : i32
      %mul3A_66 = arith.constant 32 : i32
      %mul3A_67 = arith.muli %scan3A_23, %mul3A_66 : i32
      %add3A_68 = arith.addi %add3A_65, %mul3A_67 : i32
      "tpu.region"() ({
        %run_scoped3A = tpu.sem_alloc : memref<!tpu.dma_semaphore, #tpu.memory_space<semaphore_mem>>
        %dma_start3A_119 = arith.constant 0 : i32
        %dma_start3A_120 = tpu.memref_slice %arg4[%add3A_68, %dma_start3A_119] : memref<32768x1024xf32, #tpu.memory_space<hbm>> -> memref<32x1024xf32, #tpu.memory_space<hbm>>
        %dma_start3A_121 = arith.constant 0 : i32
        %dma_start3A_122 = tpu.memref_slice %arg4[%add3A_68, %dma_start3A_121] : memref<32768x1024xf32, #tpu.memory_space<hbm>> -> memref<32x1024xf32, #tpu.memory_space<hbm>>
        tpu.enqueue_dma source(%arg6 : memref<32x1024xf32, #tpu.memory_space<vmem>>) target(%dma_start3A_122 : memref<32x1024xf32, #tpu.memory_space<hbm>>) target_semaphore(%run_scoped3A : memref<!tpu.dma_semaphore, #tpu.memory_space<semaphore_mem>>)
        %dma_wait3A_123 = arith.constant 0 : i32
        %dma_wait3A_124 = tpu.memref_slice %arg4[%add3A_68, %dma_wait3A_123] : memref<32768x1024xf32, #tpu.memory_space<hbm>> -> memref<32x1024xf32, #tpu.memory_space<hbm>>
        %dma_wait3A_125 = arith.constant 0 : i32
        %dma_wait3A_126 = tpu.memref_slice %arg4[%add3A_68, %dma_wait3A_125] : memref<32768x1024xf32, #tpu.memory_space<hbm>> -> memref<32x1024xf32, #tpu.memory_space<hbm>>
        tpu.wait_dma2 semaphore(%run_scoped3A : memref<!tpu.dma_semaphore, #tpu.memory_space<semaphore_mem>>) src(%arg6 : memref<32x1024xf32, #tpu.memory_space<vmem>>) dst(%dma_wait3A_126 : memref<32x1024xf32, #tpu.memory_space<hbm>>)
        tpu.yield
      }) : () -> ()
      %add3A_69 = arith.constant 24576 : i32
      %add3A_70 = arith.addi %add3A_69, %mul3A_2 : i32
      %mul3A_71 = arith.constant 32 : i32
      %mul3A_72 = arith.muli %scan3A_23, %mul3A_71 : i32
      %add3A_73 = arith.addi %add3A_70, %mul3A_72 : i32
      %dma_start3A_74 = arith.constant 0 : i32
      %dma_start3A_75 = tpu.memref_slice %arg2[%add3A_73, %dma_start3A_74] : memref<32768x1024xf32, #tpu.memory_space<hbm>> -> memref<32x1024xf32, #tpu.memory_space<hbm>>
      %dma_start3A_76 = arith.constant 0 : i32
      %dma_start3A_77 = tpu.memref_slice %arg2[%add3A_73, %dma_start3A_76] : memref<32768x1024xf32, #tpu.memory_space<hbm>> -> memref<32x1024xf32, #tpu.memory_space<hbm>>
      tpu.enqueue_dma source(%dma_start3A_77 : memref<32x1024xf32, #tpu.memory_space<hbm>>) target(%arg6 : memref<32x1024xf32, #tpu.memory_space<vmem>>) target_semaphore(%arg9 : memref<!tpu.dma_semaphore, #tpu.memory_space<semaphore_mem>>)
      %dma_wait3A_78 = arith.constant 0 : i32
      %dma_wait3A_79 = arith.constant 0 : i32
      %dma_wait3A_80 = tpu.memref_slice %arg2[%dma_wait3A_78, %dma_wait3A_79] : memref<32768x1024xf32, #tpu.memory_space<hbm>> -> memref<32x1024xf32, #tpu.memory_space<hbm>>
      %dma_wait3A_81 = arith.constant 0 : i32
      %dma_wait3A_82 = arith.constant 0 : i32
      %dma_wait3A_83 = tpu.memref_slice %arg2[%dma_wait3A_81, %dma_wait3A_82] : memref<32768x1024xf32, #tpu.memory_space<hbm>> -> memref<32x1024xf32, #tpu.memory_space<hbm>>
      tpu.wait_dma2 semaphore(%arg8 : memref<!tpu.dma_semaphore, #tpu.memory_space<semaphore_mem>>) src(%dma_wait3A_83 : memref<32x1024xf32, #tpu.memory_space<hbm>>) dst(%arg5 : memref<32x1024xf32, #tpu.memory_space<vmem>>)
      %scan3A_84 = arith.constant 0 : i32
      %scan3A_85 = arith.constant 0 : i32
      %scan3A_86 = arith.constant 32 : i32
      %scan3A_87 = arith.addi %scan3A_85, %scan3A_86 : i32
      %scan3A_88 = arith.constant 1 : i32
      scf.for %scan3A_119 = %scan3A_85 to %scan3A_87 step %scan3A_88  : i32 {
        %scan3A_120 = arith.constant 0 : i32
        %scan3A_121 = arith.constant 0 : i32
        %scan3A_122 = arith.constant 64 : i32
        %scan3A_123 = arith.addi %scan3A_121, %scan3A_122 : i32
        %scan3A_124 = arith.constant 8 : i32
        scf.for %scan3A_126 = %scan3A_121 to %scan3A_123 step %scan3A_124  : i32 {
          %mul3A_127 = arith.constant 16 : i32
          %mul3A_128 = arith.muli %scan3A_126, %mul3A_127 : i32
          %get3A = arith.index_cast %scan3A_119 : i32 to index
          %get3A_129 = arith.index_cast %mul3A_128 : i32 to index
          %get3A_130 = tpu.vector_load %arg5[%get3A, %get3A_129] {strides = array<i32>} : memref<32x1024xf32, #tpu.memory_space<vmem>>, vector<1x16xf32>,
          %get3A_131 = vector.shape_cast %get3A_130 : vector<1x16xf32> to vector<16xf32>
          %get3A_132 = arith.index_cast %scan3A_119 : i32 to index
          %get3A_133 = arith.index_cast %mul3A_128 : i32 to index
          %get3A_134 = tpu.vector_load %arg7[%get3A_132, %get3A_133] {strides = array<i32>} : memref<32x1024xf32, #tpu.memory_space<vmem>>, vector<1x16xf32>,
          %get3A_135 = vector.shape_cast %get3A_134 : vector<1x16xf32> to vector<16xf32>
          %add3A_136 = arith.addf %get3A_131, %get3A_135 : vector<16xf32>
          %swap3A = arith.index_cast %scan3A_119 : i32 to index
          %swap3A_137 = arith.index_cast %mul3A_128 : i32 to index
          %swap3A_138 = tpu.vector_load %arg5[%swap3A, %swap3A_137] {strides = array<i32>} : memref<32x1024xf32, #tpu.memory_space<vmem>>, vector<1x16xf32>,
          %swap3A_139 = vector.shape_cast %swap3A_138 : vector<1x16xf32> to vector<16xf32>
          %swap3A_140 = vector.shape_cast %add3A_136 : vector<16xf32> to vector<1x16xf32>
          tpu.vector_store %arg5[%swap3A, %swap3A_137], %swap3A_140 {strides = array<i32>} : memref<32x1024xf32, #tpu.memory_space<vmem>>, vector<1x16xf32>,
          %scan3A_141 = arith.constant 1 : i32
          %scan3A_142 = arith.addi %scan3A_126, %scan3A_141 : i32
          %mul3A_143 = arith.constant 16 : i32
          %mul3A_144 = arith.muli %scan3A_142, %mul3A_143 : i32
          %get3A_145 = arith.index_cast %scan3A_119 : i32 to index
          %get3A_146 = arith.index_cast %mul3A_144 : i32 to index
          %get3A_147 = tpu.vector_load %arg5[%get3A_145, %get3A_146] {strides = array<i32>} : memref<32x1024xf32, #tpu.memory_space<vmem>>, vector<1x16xf32>,
          %get3A_148 = vector.shape_cast %get3A_147 : vector<1x16xf32> to vector<16xf32>
          %get3A_149 = arith.index_cast %scan3A_119 : i32 to index
          %get3A_150 = arith.index_cast %mul3A_144 : i32 to index
          %get3A_151 = tpu.vector_load %arg7[%get3A_149, %get3A_150] {strides = array<i32>} : memref<32x1024xf32, #tpu.memory_space<vmem>>, vector<1x16xf32>,
          %get3A_152 = vector.shape_cast %get3A_151 : vector<1x16xf32> to vector<16xf32>
          %add3A_153 = arith.addf %get3A_148, %get3A_152 : vector<16xf32>
          %swap3A_154 = arith.index_cast %scan3A_119 : i32 to index
          %swap3A_155 = arith.index_cast %mul3A_144 : i32 to index
          %swap3A_156 = tpu.vector_load %arg5[%swap3A_154, %swap3A_155] {strides = array<i32>} : memref<32x1024xf32, #tpu.memory_space<vmem>>, vector<1x16xf32>,
          %swap3A_157 = vector.shape_cast %swap3A_156 : vector<1x16xf32> to vector<16xf32>
          %swap3A_158 = vector.shape_cast %add3A_153 : vector<16xf32> to vector<1x16xf32>
          tpu.vector_store %arg5[%swap3A_154, %swap3A_155], %swap3A_158 {strides = array<i32>} : memref<32x1024xf32, #tpu.memory_space<vmem>>, vector<1x16xf32>,
          %scan3A_159 = arith.constant 2 : i32
          %scan3A_160 = arith.addi %scan3A_126, %scan3A_159 : i32
          %mul3A_161 = arith.constant 16 : i32
          %mul3A_162 = arith.muli %scan3A_160, %mul3A_161 : i32
          %get3A_163 = arith.index_cast %scan3A_119 : i32 to index
          %get3A_164 = arith.index_cast %mul3A_162 : i32 to index
          %get3A_165 = tpu.vector_load %arg5[%get3A_163, %get3A_164] {strides = array<i32>} : memref<32x1024xf32, #tpu.memory_space<vmem>>, vector<1x16xf32>,
          %get3A_166 = vector.shape_cast %get3A_165 : vector<1x16xf32> to vector<16xf32>
          %get3A_167 = arith.index_cast %scan3A_119 : i32 to index
          %get3A_168 = arith.index_cast %mul3A_162 : i32 to index
          %get3A_169 = tpu.vector_load %arg7[%get3A_167, %get3A_168] {strides = array<i32>} : memref<32x1024xf32, #tpu.memory_space<vmem>>, vector<1x16xf32>,
          %get3A_170 = vector.shape_cast %get3A_169 : vector<1x16xf32> to vector<16xf32>
          %add3A_171 = arith.addf %get3A_166, %get3A_170 : vector<16xf32>
          %swap3A_172 = arith.index_cast %scan3A_119 : i32 to index
          %swap3A_173 = arith.index_cast %mul3A_162 : i32 to index
          %swap3A_174 = tpu.vector_load %arg5[%swap3A_172, %swap3A_173] {strides = array<i32>} : memref<32x1024xf32, #tpu.memory_space<vmem>>, vector<1x16xf32>,
          %swap3A_175 = vector.shape_cast %swap3A_174 : vector<1x16xf32> to vector<16xf32>
          %swap3A_176 = vector.shape_cast %add3A_171 : vector<16xf32> to vector<1x16xf32>
          tpu.vector_store %arg5[%swap3A_172, %swap3A_173], %swap3A_176 {strides = array<i32>} : memref<32x1024xf32, #tpu.memory_space<vmem>>, vector<1x16xf32>,
          %scan3A_177 = arith.constant 3 : i32
          %scan3A_178 = arith.addi %scan3A_126, %scan3A_177 : i32
          %mul3A_179 = arith.constant 16 : i32
          %mul3A_180 = arith.muli %scan3A_178, %mul3A_179 : i32
          %get3A_181 = arith.index_cast %scan3A_119 : i32 to index
          %get3A_182 = arith.index_cast %mul3A_180 : i32 to index
          %get3A_183 = tpu.vector_load %arg5[%get3A_181, %get3A_182] {strides = array<i32>} : memref<32x1024xf32, #tpu.memory_space<vmem>>, vector<1x16xf32>,
          %get3A_184 = vector.shape_cast %get3A_183 : vector<1x16xf32> to vector<16xf32>
          %get3A_185 = arith.index_cast %scan3A_119 : i32 to index
          %get3A_186 = arith.index_cast %mul3A_180 : i32 to index
          %get3A_187 = tpu.vector_load %arg7[%get3A_185, %get3A_186] {strides = array<i32>} : memref<32x1024xf32, #tpu.memory_space<vmem>>, vector<1x16xf32>,
          %get3A_188 = vector.shape_cast %get3A_187 : vector<1x16xf32> to vector<16xf32>
          %add3A_189 = arith.addf %get3A_184, %get3A_188 : vector<16xf32>
          %swap3A_190 = arith.index_cast %scan3A_119 : i32 to index
          %swap3A_191 = arith.index_cast %mul3A_180 : i32 to index
          %swap3A_192 = tpu.vector_load %arg5[%swap3A_190, %swap3A_191] {strides = array<i32>} : memref<32x1024xf32, #tpu.memory_space<vmem>>, vector<1x16xf32>,
          %swap3A_193 = vector.shape_cast %swap3A_192 : vector<1x16xf32> to vector<16xf32>
          %swap3A_194 = vector.shape_cast %add3A_189 : vector<16xf32> to vector<1x16xf32>
          tpu.vector_store %arg5[%swap3A_190, %swap3A_191], %swap3A_194 {strides = array<i32>} : memref<32x1024xf32, #tpu.memory_space<vmem>>, vector<1x16xf32>,
          %scan3A_195 = arith.constant 4 : i32
          %scan3A_196 = arith.addi %scan3A_126, %scan3A_195 : i32
          %mul3A_197 = arith.constant 16 : i32
          %mul3A_198 = arith.muli %scan3A_196, %mul3A_197 : i32
          %get3A_199 = arith.index_cast %scan3A_119 : i32 to index
          %get3A_200 = arith.index_cast %mul3A_198 : i32 to index
          %get3A_201 = tpu.vector_load %arg5[%get3A_199, %get3A_200] {strides = array<i32>} : memref<32x1024xf32, #tpu.memory_space<vmem>>, vector<1x16xf32>,
          %get3A_202 = vector.shape_cast %get3A_201 : vector<1x16xf32> to vector<16xf32>
          %get3A_203 = arith.index_cast %scan3A_119 : i32 to index
          %get3A_204 = arith.index_cast %mul3A_198 : i32 to index
          %get3A_205 = tpu.vector_load %arg7[%get3A_203, %get3A_204] {strides = array<i32>} : memref<32x1024xf32, #tpu.memory_space<vmem>>, vector<1x16xf32>,
          %get3A_206 = vector.shape_cast %get3A_205 : vector<1x16xf32> to vector<16xf32>
          %add3A_207 = arith.addf %get3A_202, %get3A_206 : vector<16xf32>
          %swap3A_208 = arith.index_cast %scan3A_119 : i32 to index
          %swap3A_209 = arith.index_cast %mul3A_198 : i32 to index
          %swap3A_210 = tpu.vector_load %arg5[%swap3A_208, %swap3A_209] {strides = array<i32>} : memref<32x1024xf32, #tpu.memory_space<vmem>>, vector<1x16xf32>,
          %swap3A_211 = vector.shape_cast %swap3A_210 : vector<1x16xf32> to vector<16xf32>
          %swap3A_212 = vector.shape_cast %add3A_207 : vector<16xf32> to vector<1x16xf32>
          tpu.vector_store %arg5[%swap3A_208, %swap3A_209], %swap3A_212 {strides = array<i32>} : memref<32x1024xf32, #tpu.memory_space<vmem>>, vector<1x16xf32>,
          %scan3A_213 = arith.constant 5 : i32
          %scan3A_214 = arith.addi %scan3A_126, %scan3A_213 : i32
          %mul3A_215 = arith.constant 16 : i32
          %mul3A_216 = arith.muli %scan3A_214, %mul3A_215 : i32
          %get3A_217 = arith.index_cast %scan3A_119 : i32 to index
          %get3A_218 = arith.index_cast %mul3A_216 : i32 to index
          %get3A_219 = tpu.vector_load %arg5[%get3A_217, %get3A_218] {strides = array<i32>} : memref<32x1024xf32, #tpu.memory_space<vmem>>, vector<1x16xf32>,
          %get3A_220 = vector.shape_cast %get3A_219 : vector<1x16xf32> to vector<16xf32>
          %get3A_221 = arith.index_cast %scan3A_119 : i32 to index
          %get3A_222 = arith.index_cast %mul3A_216 : i32 to index
          %get3A_223 = tpu.vector_load %arg7[%get3A_221, %get3A_222] {strides = array<i32>} : memref<32x1024xf32, #tpu.memory_space<vmem>>, vector<1x16xf32>,
          %get3A_224 = vector.shape_cast %get3A_223 : vector<1x16xf32> to vector<16xf32>
          %add3A_225 = arith.addf %get3A_220, %get3A_224 : vector<16xf32>
          %swap3A_226 = arith.index_cast %scan3A_119 : i32 to index
          %swap3A_227 = arith.index_cast %mul3A_216 : i32 to index
          %swap3A_228 = tpu.vector_load %arg5[%swap3A_226, %swap3A_227] {strides = array<i32>} : memref<32x1024xf32, #tpu.memory_space<vmem>>, vector<1x16xf32>,
          %swap3A_229 = vector.shape_cast %swap3A_228 : vector<1x16xf32> to vector<16xf32>
          %swap3A_230 = vector.shape_cast %add3A_225 : vector<16xf32> to vector<1x16xf32>
          tpu.vector_store %arg5[%swap3A_226, %swap3A_227], %swap3A_230 {strides = array<i32>} : memref<32x1024xf32, #tpu.memory_space<vmem>>, vector<1x16xf32>,
          %scan3A_231 = arith.constant 6 : i32
          %scan3A_232 = arith.addi %scan3A_126, %scan3A_231 : i32
          %mul3A_233 = arith.constant 16 : i32
          %mul3A_234 = arith.muli %scan3A_232, %mul3A_233 : i32
          %get3A_235 = arith.index_cast %scan3A_119 : i32 to index
          %get3A_236 = arith.index_cast %mul3A_234 : i32 to index
          %get3A_237 = tpu.vector_load %arg5[%get3A_235, %get3A_236] {strides = array<i32>} : memref<32x1024xf32, #tpu.memory_space<vmem>>, vector<1x16xf32>,
          %get3A_238 = vector.shape_cast %get3A_237 : vector<1x16xf32> to vector<16xf32>
          %get3A_239 = arith.index_cast %scan3A_119 : i32 to index
          %get3A_240 = arith.index_cast %mul3A_234 : i32 to index
          %get3A_241 = tpu.vector_load %arg7[%get3A_239, %get3A_240] {strides = array<i32>} : memref<32x1024xf32, #tpu.memory_space<vmem>>, vector<1x16xf32>,
          %get3A_242 = vector.shape_cast %get3A_241 : vector<1x16xf32> to vector<16xf32>
          %add3A_243 = arith.addf %get3A_238, %get3A_242 : vector<16xf32>
          %swap3A_244 = arith.index_cast %scan3A_119 : i32 to index
          %swap3A_245 = arith.index_cast %mul3A_234 : i32 to index
          %swap3A_246 = tpu.vector_load %arg5[%swap3A_244, %swap3A_245] {strides = array<i32>} : memref<32x1024xf32, #tpu.memory_space<vmem>>, vector<1x16xf32>,
          %swap3A_247 = vector.shape_cast %swap3A_246 : vector<1x16xf32> to vector<16xf32>
          %swap3A_248 = vector.shape_cast %add3A_243 : vector<16xf32> to vector<1x16xf32>
          tpu.vector_store %arg5[%swap3A_244, %swap3A_245], %swap3A_248 {strides = array<i32>} : memref<32x1024xf32, #tpu.memory_space<vmem>>, vector<1x16xf32>,
          %scan3A_249 = arith.constant 7 : i32
          %scan3A_250 = arith.addi %scan3A_126, %scan3A_249 : i32
          %mul3A_251 = arith.constant 16 : i32
          %mul3A_252 = arith.muli %scan3A_250, %mul3A_251 : i32
          %get3A_253 = arith.index_cast %scan3A_119 : i32 to index
          %get3A_254 = arith.index_cast %mul3A_252 : i32 to index
          %get3A_255 = tpu.vector_load %arg5[%get3A_253, %get3A_254] {strides = array<i32>} : memref<32x1024xf32, #tpu.memory_space<vmem>>, vector<1x16xf32>,
          %get3A_256 = vector.shape_cast %get3A_255 : vector<1x16xf32> to vector<16xf32>
          %get3A_257 = arith.index_cast %scan3A_119 : i32 to index
          %get3A_258 = arith.index_cast %mul3A_252 : i32 to index
          %get3A_259 = tpu.vector_load %arg7[%get3A_257, %get3A_258] {strides = array<i32>} : memref<32x1024xf32, #tpu.memory_space<vmem>>, vector<1x16xf32>,
          %get3A_260 = vector.shape_cast %get3A_259 : vector<1x16xf32> to vector<16xf32>
          %add3A_261 = arith.addf %get3A_256, %get3A_260 : vector<16xf32>
          %swap3A_262 = arith.index_cast %scan3A_119 : i32 to index
          %swap3A_263 = arith.index_cast %mul3A_252 : i32 to index
          %swap3A_264 = tpu.vector_load %arg5[%swap3A_262, %swap3A_263] {strides = array<i32>} : memref<32x1024xf32, #tpu.memory_space<vmem>>, vector<1x16xf32>,
          %swap3A_265 = vector.shape_cast %swap3A_264 : vector<1x16xf32> to vector<16xf32>
          %swap3A_266 = vector.shape_cast %add3A_261 : vector<16xf32> to vector<1x16xf32>
          tpu.vector_store %arg5[%swap3A_262, %swap3A_263], %swap3A_266 {strides = array<i32>} : memref<32x1024xf32, #tpu.memory_space<vmem>>, vector<1x16xf32>,
        }
        %scan3A_125 = arith.constant 64 : i32
      }
      %scan3A_89 = arith.constant 32 : i32
      %add3A_90 = arith.constant 16384 : i32
      %add3A_91 = arith.addi %add3A_90, %mul3A_2 : i32
      %mul3A_92 = arith.constant 32 : i32
      %mul3A_93 = arith.muli %scan3A_23, %mul3A_92 : i32
      %add3A_94 = arith.addi %add3A_91, %mul3A_93 : i32
      "tpu.region"() ({
        %run_scoped3A = tpu.sem_alloc : memref<!tpu.dma_semaphore, #tpu.memory_space<semaphore_mem>>
        %dma_start3A_119 = arith.constant 0 : i32
        %dma_start3A_120 = tpu.memref_slice %arg4[%add3A_94, %dma_start3A_119] : memref<32768x1024xf32, #tpu.memory_space<hbm>> -> memref<32x1024xf32, #tpu.memory_space<hbm>>
        %dma_start3A_121 = arith.constant 0 : i32
        %dma_start3A_122 = tpu.memref_slice %arg4[%add3A_94, %dma_start3A_121] : memref<32768x1024xf32, #tpu.memory_space<hbm>> -> memref<32x1024xf32, #tpu.memory_space<hbm>>
        tpu.enqueue_dma source(%arg5 : memref<32x1024xf32, #tpu.memory_space<vmem>>) target(%dma_start3A_122 : memref<32x1024xf32, #tpu.memory_space<hbm>>) target_semaphore(%run_scoped3A : memref<!tpu.dma_semaphore, #tpu.memory_space<semaphore_mem>>)
        %dma_wait3A_123 = arith.constant 0 : i32
        %dma_wait3A_124 = tpu.memref_slice %arg4[%add3A_94, %dma_wait3A_123] : memref<32768x1024xf32, #tpu.memory_space<hbm>> -> memref<32x1024xf32, #tpu.memory_space<hbm>>
        %dma_wait3A_125 = arith.constant 0 : i32
        %dma_wait3A_126 = tpu.memref_slice %arg4[%add3A_94, %dma_wait3A_125] : memref<32768x1024xf32, #tpu.memory_space<hbm>> -> memref<32x1024xf32, #tpu.memory_space<hbm>>
        tpu.wait_dma2 semaphore(%run_scoped3A : memref<!tpu.dma_semaphore, #tpu.memory_space<semaphore_mem>>) src(%arg5 : memref<32x1024xf32, #tpu.memory_space<vmem>>) dst(%dma_wait3A_126 : memref<32x1024xf32, #tpu.memory_space<hbm>>)
        tpu.yield
      }) : () -> ()
      %lt3A = arith.constant 7 : i32
      %lt3A_95 = arith.cmpi slt, %scan3A_23, %lt3A : i32
      %convert_element_type3A = arith.extui %lt3A_95 : i1 to i32
      %cond3A = arith.constant 0 : i32
      %cond3A_96 = arith.cmpi ne, %convert_element_type3A, %cond3A : i32
      scf.if %cond3A_96 {
        %add3A_119 = arith.constant 1 : i32
        %add3A_120 = arith.addi %scan3A_23, %add3A_119 : i32
        %add3A_121 = arith.constant 0 : i32
        %add3A_122 = arith.addi %add3A_121, %mul3A_2 : i32
        %mul3A_123 = arith.constant 32 : i32
        %mul3A_124 = arith.muli %add3A_120, %mul3A_123 : i32
        %add3A_125 = arith.addi %add3A_122, %mul3A_124 : i32
        %dma_start3A_126 = arith.constant 0 : i32
        %dma_start3A_127 = tpu.memref_slice %arg2[%add3A_125, %dma_start3A_126] : memref<32768x1024xf32, #tpu.memory_space<hbm>> -> memref<32x1024xf32, #tpu.memory_space<hbm>>
        %dma_start3A_128 = arith.constant 0 : i32
        %dma_start3A_129 = tpu.memref_slice %arg2[%add3A_125, %dma_start3A_128] : memref<32768x1024xf32, #tpu.memory_space<hbm>> -> memref<32x1024xf32, #tpu.memory_space<hbm>>
        tpu.enqueue_dma source(%dma_start3A_129 : memref<32x1024xf32, #tpu.memory_space<hbm>>) target(%arg5 : memref<32x1024xf32, #tpu.memory_space<vmem>>) target_semaphore(%arg8 : memref<!tpu.dma_semaphore, #tpu.memory_space<semaphore_mem>>)
      } else {
      }
      %dma_wait3A_97 = arith.constant 0 : i32
      %dma_wait3A_98 = arith.constant 0 : i32
      %dma_wait3A_99 = tpu.memref_slice %arg2[%dma_wait3A_97, %dma_wait3A_98] : memref<32768x1024xf32, #tpu.memory_space<hbm>> -> memref<32x1024xf32, #tpu.memory_space<hbm>>
      %dma_wait3A_100 = arith.constant 0 : i32
      %dma_wait3A_101 = arith.constant 0 : i32
      %dma_wait3A_102 = tpu.memref_slice %arg2[%dma_wait3A_100, %dma_wait3A_101] : memref<32768x1024xf32, #tpu.memory_space<hbm>> -> memref<32x1024xf32, #tpu.memory_space<hbm>>
      tpu.wait_dma2 semaphore(%arg9 : memref<!tpu.dma_semaphore, #tpu.memory_space<semaphore_mem>>) src(%dma_wait3A_102 : memref<32x1024xf32, #tpu.memory_space<hbm>>) dst(%arg6 : memref<32x1024xf32, #tpu.memory_space<vmem>>)
      %scan3A_103 = arith.constant 0 : i32
      %scan3A_104 = arith.constant 0 : i32
      %scan3A_105 = arith.constant 32 : i32
      %scan3A_106 = arith.addi %scan3A_104, %scan3A_105 : i32
      %scan3A_107 = arith.constant 1 : i32
      scf.for %scan3A_119 = %scan3A_104 to %scan3A_106 step %scan3A_107  : i32 {
        %scan3A_120 = arith.constant 0 : i32
        %scan3A_121 = arith.constant 0 : i32
        %scan3A_122 = arith.constant 64 : i32
        %scan3A_123 = arith.addi %scan3A_121, %scan3A_122 : i32
        %scan3A_124 = arith.constant 8 : i32
        scf.for %scan3A_126 = %scan3A_121 to %scan3A_123 step %scan3A_124  : i32 {
          %mul3A_127 = arith.constant 16 : i32
          %mul3A_128 = arith.muli %scan3A_126, %mul3A_127 : i32
          %get3A = arith.index_cast %scan3A_119 : i32 to index
          %get3A_129 = arith.index_cast %mul3A_128 : i32 to index
          %get3A_130 = tpu.vector_load %arg6[%get3A, %get3A_129] {strides = array<i32>} : memref<32x1024xf32, #tpu.memory_space<vmem>>, vector<1x16xf32>,
          %get3A_131 = vector.shape_cast %get3A_130 : vector<1x16xf32> to vector<16xf32>
          %get3A_132 = arith.index_cast %scan3A_119 : i32 to index
          %get3A_133 = arith.index_cast %mul3A_128 : i32 to index
          %get3A_134 = tpu.vector_load %arg7[%get3A_132, %get3A_133] {strides = array<i32>} : memref<32x1024xf32, #tpu.memory_space<vmem>>, vector<1x16xf32>,
          %get3A_135 = vector.shape_cast %get3A_134 : vector<1x16xf32> to vector<16xf32>
          %add3A_136 = arith.addf %get3A_131, %get3A_135 : vector<16xf32>
          %swap3A = arith.index_cast %scan3A_119 : i32 to index
          %swap3A_137 = arith.index_cast %mul3A_128 : i32 to index
          %swap3A_138 = tpu.vector_load %arg6[%swap3A, %swap3A_137] {strides = array<i32>} : memref<32x1024xf32, #tpu.memory_space<vmem>>, vector<1x16xf32>,
          %swap3A_139 = vector.shape_cast %swap3A_138 : vector<1x16xf32> to vector<16xf32>
          %swap3A_140 = vector.shape_cast %add3A_136 : vector<16xf32> to vector<1x16xf32>
          tpu.vector_store %arg6[%swap3A, %swap3A_137], %swap3A_140 {strides = array<i32>} : memref<32x1024xf32, #tpu.memory_space<vmem>>, vector<1x16xf32>,
          %scan3A_141 = arith.constant 1 : i32
          %scan3A_142 = arith.addi %scan3A_126, %scan3A_141 : i32
          %mul3A_143 = arith.constant 16 : i32
          %mul3A_144 = arith.muli %scan3A_142, %mul3A_143 : i32
          %get3A_145 = arith.index_cast %scan3A_119 : i32 to index
          %get3A_146 = arith.index_cast %mul3A_144 : i32 to index
          %get3A_147 = tpu.vector_load %arg6[%get3A_145, %get3A_146] {strides = array<i32>} : memref<32x1024xf32, #tpu.memory_space<vmem>>, vector<1x16xf32>,
          %get3A_148 = vector.shape_cast %get3A_147 : vector<1x16xf32> to vector<16xf32>
          %get3A_149 = arith.index_cast %scan3A_119 : i32 to index
          %get3A_150 = arith.index_cast %mul3A_144 : i32 to index
          %get3A_151 = tpu.vector_load %arg7[%get3A_149, %get3A_150] {strides = array<i32>} : memref<32x1024xf32, #tpu.memory_space<vmem>>, vector<1x16xf32>,
          %get3A_152 = vector.shape_cast %get3A_151 : vector<1x16xf32> to vector<16xf32>
          %add3A_153 = arith.addf %get3A_148, %get3A_152 : vector<16xf32>
          %swap3A_154 = arith.index_cast %scan3A_119 : i32 to index
          %swap3A_155 = arith.index_cast %mul3A_144 : i32 to index
          %swap3A_156 = tpu.vector_load %arg6[%swap3A_154, %swap3A_155] {strides = array<i32>} : memref<32x1024xf32, #tpu.memory_space<vmem>>, vector<1x16xf32>,
          %swap3A_157 = vector.shape_cast %swap3A_156 : vector<1x16xf32> to vector<16xf32>
          %swap3A_158 = vector.shape_cast %add3A_153 : vector<16xf32> to vector<1x16xf32>
          tpu.vector_store %arg6[%swap3A_154, %swap3A_155], %swap3A_158 {strides = array<i32>} : memref<32x1024xf32, #tpu.memory_space<vmem>>, vector<1x16xf32>,
          %scan3A_159 = arith.constant 2 : i32
          %scan3A_160 = arith.addi %scan3A_126, %scan3A_159 : i32
          %mul3A_161 = arith.constant 16 : i32
          %mul3A_162 = arith.muli %scan3A_160, %mul3A_161 : i32
          %get3A_163 = arith.index_cast %scan3A_119 : i32 to index
          %get3A_164 = arith.index_cast %mul3A_162 : i32 to index
          %get3A_165 = tpu.vector_load %arg6[%get3A_163, %get3A_164] {strides = array<i32>} : memref<32x1024xf32, #tpu.memory_space<vmem>>, vector<1x16xf32>,
          %get3A_166 = vector.shape_cast %get3A_165 : vector<1x16xf32> to vector<16xf32>
          %get3A_167 = arith.index_cast %scan3A_119 : i32 to index
          %get3A_168 = arith.index_cast %mul3A_162 : i32 to index
          %get3A_169 = tpu.vector_load %arg7[%get3A_167, %get3A_168] {strides = array<i32>} : memref<32x1024xf32, #tpu.memory_space<vmem>>, vector<1x16xf32>,
          %get3A_170 = vector.shape_cast %get3A_169 : vector<1x16xf32> to vector<16xf32>
          %add3A_171 = arith.addf %get3A_166, %get3A_170 : vector<16xf32>
          %swap3A_172 = arith.index_cast %scan3A_119 : i32 to index
          %swap3A_173 = arith.index_cast %mul3A_162 : i32 to index
          %swap3A_174 = tpu.vector_load %arg6[%swap3A_172, %swap3A_173] {strides = array<i32>} : memref<32x1024xf32, #tpu.memory_space<vmem>>, vector<1x16xf32>,
          %swap3A_175 = vector.shape_cast %swap3A_174 : vector<1x16xf32> to vector<16xf32>
          %swap3A_176 = vector.shape_cast %add3A_171 : vector<16xf32> to vector<1x16xf32>
          tpu.vector_store %arg6[%swap3A_172, %swap3A_173], %swap3A_176 {strides = array<i32>} : memref<32x1024xf32, #tpu.memory_space<vmem>>, vector<1x16xf32>,
          %scan3A_177 = arith.constant 3 : i32
          %scan3A_178 = arith.addi %scan3A_126, %scan3A_177 : i32
          %mul3A_179 = arith.constant 16 : i32
          %mul3A_180 = arith.muli %scan3A_178, %mul3A_179 : i32
          %get3A_181 = arith.index_cast %scan3A_119 : i32 to index
          %get3A_182 = arith.index_cast %mul3A_180 : i32 to index
          %get3A_183 = tpu.vector_load %arg6[%get3A_181, %get3A_182] {strides = array<i32>} : memref<32x1024xf32, #tpu.memory_space<vmem>>, vector<1x16xf32>,
          %get3A_184 = vector.shape_cast %get3A_183 : vector<1x16xf32> to vector<16xf32>
          %get3A_185 = arith.index_cast %scan3A_119 : i32 to index
          %get3A_186 = arith.index_cast %mul3A_180 : i32 to index
          %get3A_187 = tpu.vector_load %arg7[%get3A_185, %get3A_186] {strides = array<i32>} : memref<32x1024xf32, #tpu.memory_space<vmem>>, vector<1x16xf32>,
          %get3A_188 = vector.shape_cast %get3A_187 : vector<1x16xf32> to vector<16xf32>
          %add3A_189 = arith.addf %get3A_184, %get3A_188 : vector<16xf32>
          %swap3A_190 = arith.index_cast %scan3A_119 : i32 to index
          %swap3A_191 = arith.index_cast %mul3A_180 : i32 to index
          %swap3A_192 = tpu.vector_load %arg6[%swap3A_190, %swap3A_191] {strides = array<i32>} : memref<32x1024xf32, #tpu.memory_space<vmem>>, vector<1x16xf32>,
          %swap3A_193 = vector.shape_cast %swap3A_192 : vector<1x16xf32> to vector<16xf32>
          %swap3A_194 = vector.shape_cast %add3A_189 : vector<16xf32> to vector<1x16xf32>
          tpu.vector_store %arg6[%swap3A_190, %swap3A_191], %swap3A_194 {strides = array<i32>} : memref<32x1024xf32, #tpu.memory_space<vmem>>, vector<1x16xf32>,
          %scan3A_195 = arith.constant 4 : i32
          %scan3A_196 = arith.addi %scan3A_126, %scan3A_195 : i32
          %mul3A_197 = arith.constant 16 : i32
          %mul3A_198 = arith.muli %scan3A_196, %mul3A_197 : i32
          %get3A_199 = arith.index_cast %scan3A_119 : i32 to index
          %get3A_200 = arith.index_cast %mul3A_198 : i32 to index
          %get3A_201 = tpu.vector_load %arg6[%get3A_199, %get3A_200] {strides = array<i32>} : memref<32x1024xf32, #tpu.memory_space<vmem>>, vector<1x16xf32>,
          %get3A_202 = vector.shape_cast %get3A_201 : vector<1x16xf32> to vector<16xf32>
          %get3A_203 = arith.index_cast %scan3A_119 : i32 to index
          %get3A_204 = arith.index_cast %mul3A_198 : i32 to index
          %get3A_205 = tpu.vector_load %arg7[%get3A_203, %get3A_204] {strides = array<i32>} : memref<32x1024xf32, #tpu.memory_space<vmem>>, vector<1x16xf32>,
          %get3A_206 = vector.shape_cast %get3A_205 : vector<1x16xf32> to vector<16xf32>
          %add3A_207 = arith.addf %get3A_202, %get3A_206 : vector<16xf32>
          %swap3A_208 = arith.index_cast %scan3A_119 : i32 to index
          %swap3A_209 = arith.index_cast %mul3A_198 : i32 to index
          %swap3A_210 = tpu.vector_load %arg6[%swap3A_208, %swap3A_209] {strides = array<i32>} : memref<32x1024xf32, #tpu.memory_space<vmem>>, vector<1x16xf32>,
          %swap3A_211 = vector.shape_cast %swap3A_210 : vector<1x16xf32> to vector<16xf32>
          %swap3A_212 = vector.shape_cast %add3A_207 : vector<16xf32> to vector<1x16xf32>
          tpu.vector_store %arg6[%swap3A_208, %swap3A_209], %swap3A_212 {strides = array<i32>} : memref<32x1024xf32, #tpu.memory_space<vmem>>, vector<1x16xf32>,
          %scan3A_213 = arith.constant 5 : i32
          %scan3A_214 = arith.addi %scan3A_126, %scan3A_213 : i32
          %mul3A_215 = arith.constant 16 : i32
          %mul3A_216 = arith.muli %scan3A_214, %mul3A_215 : i32
          %get3A_217 = arith.index_cast %scan3A_119 : i32 to index
          %get3A_218 = arith.index_cast %mul3A_216 : i32 to index
          %get3A_219 = tpu.vector_load %arg6[%get3A_217, %get3A_218] {strides = array<i32>} : memref<32x1024xf32, #tpu.memory_space<vmem>>, vector<1x16xf32>,
          %get3A_220 = vector.shape_cast %get3A_219 : vector<1x16xf32> to vector<16xf32>
          %get3A_221 = arith.index_cast %scan3A_119 : i32 to index
          %get3A_222 = arith.index_cast %mul3A_216 : i32 to index
          %get3A_223 = tpu.vector_load %arg7[%get3A_221, %get3A_222] {strides = array<i32>} : memref<32x1024xf32, #tpu.memory_space<vmem>>, vector<1x16xf32>,
          %get3A_224 = vector.shape_cast %get3A_223 : vector<1x16xf32> to vector<16xf32>
          %add3A_225 = arith.addf %get3A_220, %get3A_224 : vector<16xf32>
          %swap3A_226 = arith.index_cast %scan3A_119 : i32 to index
          %swap3A_227 = arith.index_cast %mul3A_216 : i32 to index
          %swap3A_228 = tpu.vector_load %arg6[%swap3A_226, %swap3A_227] {strides = array<i32>} : memref<32x1024xf32, #tpu.memory_space<vmem>>, vector<1x16xf32>,
          %swap3A_229 = vector.shape_cast %swap3A_228 : vector<1x16xf32> to vector<16xf32>
          %swap3A_230 = vector.shape_cast %add3A_225 : vector<16xf32> to vector<1x16xf32>
          tpu.vector_store %arg6[%swap3A_226, %swap3A_227], %swap3A_230 {strides = array<i32>} : memref<32x1024xf32, #tpu.memory_space<vmem>>, vector<1x16xf32>,
          %scan3A_231 = arith.constant 6 : i32
          %scan3A_232 = arith.addi %scan3A_126, %scan3A_231 : i32
          %mul3A_233 = arith.constant 16 : i32
          %mul3A_234 = arith.muli %scan3A_232, %mul3A_233 : i32
          %get3A_235 = arith.index_cast %scan3A_119 : i32 to index
          %get3A_236 = arith.index_cast %mul3A_234 : i32 to index
          %get3A_237 = tpu.vector_load %arg6[%get3A_235, %get3A_236] {strides = array<i32>} : memref<32x1024xf32, #tpu.memory_space<vmem>>, vector<1x16xf32>,
          %get3A_238 = vector.shape_cast %get3A_237 : vector<1x16xf32> to vector<16xf32>
          %get3A_239 = arith.index_cast %scan3A_119 : i32 to index
          %get3A_240 = arith.index_cast %mul3A_234 : i32 to index
          %get3A_241 = tpu.vector_load %arg7[%get3A_239, %get3A_240] {strides = array<i32>} : memref<32x1024xf32, #tpu.memory_space<vmem>>, vector<1x16xf32>,
          %get3A_242 = vector.shape_cast %get3A_241 : vector<1x16xf32> to vector<16xf32>
          %add3A_243 = arith.addf %get3A_238, %get3A_242 : vector<16xf32>
          %swap3A_244 = arith.index_cast %scan3A_119 : i32 to index
          %swap3A_245 = arith.index_cast %mul3A_234 : i32 to index
          %swap3A_246 = tpu.vector_load %arg6[%swap3A_244, %swap3A_245] {strides = array<i32>} : memref<32x1024xf32, #tpu.memory_space<vmem>>, vector<1x16xf32>,
          %swap3A_247 = vector.shape_cast %swap3A_246 : vector<1x16xf32> to vector<16xf32>
          %swap3A_248 = vector.shape_cast %add3A_243 : vector<16xf32> to vector<1x16xf32>
          tpu.vector_store %arg6[%swap3A_244, %swap3A_245], %swap3A_248 {strides = array<i32>} : memref<32x1024xf32, #tpu.memory_space<vmem>>, vector<1x16xf32>,
          %scan3A_249 = arith.constant 7 : i32
          %scan3A_250 = arith.addi %scan3A_126, %scan3A_249 : i32
          %mul3A_251 = arith.constant 16 : i32
          %mul3A_252 = arith.muli %scan3A_250, %mul3A_251 : i32
          %get3A_253 = arith.index_cast %scan3A_119 : i32 to index
          %get3A_254 = arith.index_cast %mul3A_252 : i32 to index
          %get3A_255 = tpu.vector_load %arg6[%get3A_253, %get3A_254] {strides = array<i32>} : memref<32x1024xf32, #tpu.memory_space<vmem>>, vector<1x16xf32>,
          %get3A_256 = vector.shape_cast %get3A_255 : vector<1x16xf32> to vector<16xf32>
          %get3A_257 = arith.index_cast %scan3A_119 : i32 to index
          %get3A_258 = arith.index_cast %mul3A_252 : i32 to index
          %get3A_259 = tpu.vector_load %arg7[%get3A_257, %get3A_258] {strides = array<i32>} : memref<32x1024xf32, #tpu.memory_space<vmem>>, vector<1x16xf32>,
          %get3A_260 = vector.shape_cast %get3A_259 : vector<1x16xf32> to vector<16xf32>
          %add3A_261 = arith.addf %get3A_256, %get3A_260 : vector<16xf32>
          %swap3A_262 = arith.index_cast %scan3A_119 : i32 to index
          %swap3A_263 = arith.index_cast %mul3A_252 : i32 to index
          %swap3A_264 = tpu.vector_load %arg6[%swap3A_262, %swap3A_263] {strides = array<i32>} : memref<32x1024xf32, #tpu.memory_space<vmem>>, vector<1x16xf32>,
          %swap3A_265 = vector.shape_cast %swap3A_264 : vector<1x16xf32> to vector<16xf32>
          %swap3A_266 = vector.shape_cast %add3A_261 : vector<16xf32> to vector<1x16xf32>
          tpu.vector_store %arg6[%swap3A_262, %swap3A_263], %swap3A_266 {strides = array<i32>} : memref<32x1024xf32, #tpu.memory_space<vmem>>, vector<1x16xf32>,
        }
        %scan3A_125 = arith.constant 64 : i32
      }
      %scan3A_108 = arith.constant 32 : i32
      %add3A_109 = arith.constant 24576 : i32
      %add3A_110 = arith.addi %add3A_109, %mul3A_2 : i32
      %mul3A_111 = arith.constant 32 : i32
      %mul3A_112 = arith.muli %scan3A_23, %mul3A_111 : i32
      %add3A_113 = arith.addi %add3A_110, %mul3A_112 : i32
      "tpu.region"() ({
        %run_scoped3A = tpu.sem_alloc : memref<!tpu.dma_semaphore, #tpu.memory_space<semaphore_mem>>
        %dma_start3A_119 = arith.constant 0 : i32
        %dma_start3A_120 = tpu.memref_slice %arg4[%add3A_113, %dma_start3A_119] : memref<32768x1024xf32, #tpu.memory_space<hbm>> -> memref<32x1024xf32, #tpu.memory_space<hbm>>
        %dma_start3A_121 = arith.constant 0 : i32
        %dma_start3A_122 = tpu.memref_slice %arg4[%add3A_113, %dma_start3A_121] : memref<32768x1024xf32, #tpu.memory_space<hbm>> -> memref<32x1024xf32, #tpu.memory_space<hbm>>
        tpu.enqueue_dma source(%arg6 : memref<32x1024xf32, #tpu.memory_space<vmem>>) target(%dma_start3A_122 : memref<32x1024xf32, #tpu.memory_space<hbm>>) target_semaphore(%run_scoped3A : memref<!tpu.dma_semaphore, #tpu.memory_space<semaphore_mem>>)
        %dma_wait3A_123 = arith.constant 0 : i32
        %dma_wait3A_124 = tpu.memref_slice %arg4[%add3A_113, %dma_wait3A_123] : memref<32768x1024xf32, #tpu.memory_space<hbm>> -> memref<32x1024xf32, #tpu.memory_space<hbm>>
        %dma_wait3A_125 = arith.constant 0 : i32
        %dma_wait3A_126 = tpu.memref_slice %arg4[%add3A_113, %dma_wait3A_125] : memref<32768x1024xf32, #tpu.memory_space<hbm>> -> memref<32x1024xf32, #tpu.memory_space<hbm>>
        tpu.wait_dma2 semaphore(%run_scoped3A : memref<!tpu.dma_semaphore, #tpu.memory_space<semaphore_mem>>) src(%arg6 : memref<32x1024xf32, #tpu.memory_space<vmem>>) dst(%dma_wait3A_126 : memref<32x1024xf32, #tpu.memory_space<hbm>>)
        tpu.yield
      }) : () -> ()
      %lt3A_114 = arith.constant 7 : i32
      %lt3A_115 = arith.cmpi slt, %scan3A_23, %lt3A_114 : i32
      %convert_element_type3A_116 = arith.extui %lt3A_115 : i1 to i32
      %cond3A_117 = arith.constant 0 : i32
      %cond3A_118 = arith.cmpi ne, %convert_element_type3A_116, %cond3A_117 : i32
      scf.if %cond3A_118 {
        %add3A_119 = arith.constant 1 : i32
        %add3A_120 = arith.addi %scan3A_23, %add3A_119 : i32
        %add3A_121 = arith.constant 8192 : i32
        %add3A_122 = arith.addi %add3A_121, %mul3A_2 : i32
        %mul3A_123 = arith.constant 32 : i32
        %mul3A_124 = arith.muli %add3A_120, %mul3A_123 : i32
        %add3A_125 = arith.addi %add3A_122, %mul3A_124 : i32
        %dma_start3A_126 = arith.constant 0 : i32
        %dma_start3A_127 = tpu.memref_slice %arg2[%add3A_125, %dma_start3A_126] : memref<32768x1024xf32, #tpu.memory_space<hbm>> -> memref<32x1024xf32, #tpu.memory_space<hbm>>
        %dma_start3A_128 = arith.constant 0 : i32
        %dma_start3A_129 = tpu.memref_slice %arg2[%add3A_125, %dma_start3A_128] : memref<32768x1024xf32, #tpu.memory_space<hbm>> -> memref<32x1024xf32, #tpu.memory_space<hbm>>
        tpu.enqueue_dma source(%dma_start3A_129 : memref<32x1024xf32, #tpu.memory_space<hbm>>) target(%arg6 : memref<32x1024xf32, #tpu.memory_space<vmem>>) target_semaphore(%arg9 : memref<!tpu.dma_semaphore, #tpu.memory_space<semaphore_mem>>)
      } else {
      }
    }
    %scan3A_22 = arith.constant 8 : i32
    return
  }
}

</mosaic_0001>

<sc_bundles>
// kernel: kernel.3.cloned.1.call-start
scs
__scs_entry_jumppad:
0x0: {  	(pc) =	sbr.rel $0x88, $3  }
0x1: {  	(tag) =	ssettag $0x0;
	lr =	simm.s32 $0x1  }
0x2: {  	[smem:$0x3F9F] =	sst lr;
	_ =	strace $0xD0000000  }
0x3: {  	_ = 	snop  }
0x4: {  	_ = 	snop  }
0x5: {  	_ = 	snop  }
0x6: {  	_ = 	snop  }
0x7: {  	_ = 	snop  }
__scs_overlays_trampoline_lowered:
0x8: {  	[smem:$0x3FAE] =	sst s0  }
0x9: {  	[smem:$0x3FAF] =	sst s1  }
0xa: {  	[smem:$0x3FB0] =	sst s2  }
0xb: {  	[smem:$0x3FB1] =	sst s3  }
0xc: {  	[smem:$0x3FB2] =	sst s4  }
0xd: {  	[smem:$0x3FB3] =	sst s5  }
0xe: {  	[smem:$0x3FB4] =	sst s6  }
0xf: {  	[smem:$0x3FB5] =	sst s7  }
0x10: {  	[smem:$0x3FB6] =	sst s8  }
0x11: {  	[smem:$0x3FB7] =	sst s9;
	s0 =	simm.s32 @!p0 $0x0  }
0x12: {  	s1 =	sld [smem:$0x3F9D];
	s0 =	simm.s32 @p0 $0x1  }
0x13: {  	[smem:$0x3FB8] =	sst s0;
	s0 =	simm.s32 @!p1 $0x0  }
0x14: {  	s2 =	sld [smem:$0x3F9C];
	s0 =	simm.s32 @p1 $0x1  }
0x15: {  	[smem:$0x3FB9] =	sst s0;
	s0 =	simm.s32 @!p2 $0x0  }
0x16: {  	s3 =	sld [smem:$0x3FDB];
	s0 =	simm.s32 @p2 $0x1  }
0x17: {  	s4 =	simm.s32 $0x1BF5;
	[smem:$0x3FBB] =	sst s0  }
0x18: {  	s0 =	sld [smem:$0x3F9E];
	_ =	swait.ge [sflag:s4], $0x0  }
0x19: {  	s7 =	sld [smem:$0x3F9F]  }
0x1a: {  	s8 =	sadd.s32 $0xFFFFE003, lr  }
0x1b: {  	s9 =	sadd.s32 $0xFFFFFEF7, lr;
	s5 =	simm.s32 $0xFFFFFFFF;
	p2 =	slt.u32 s8, $0xFFFFF086  }
0x1c: {  	p1 =	slt.u32 s9, $0xF7A;
	s5 =	simm.s32 @!p2 $0x0  }
0x1d: {  	s5 =	simm.s32 @p1 $0x1;
	p0 =	seq.s32 s7, s2  }
0x1e: {  	s7 =	smul.u32 @!p0 $0xF7A, s2;
	p2 =	seq.s32 @!p0 s5, $0x0  }
0x1f: {  	s9 =	smul.u32 $0xF7A, s1;
	s8 =	simm.s32 @!p0 $0x1BF5;
	p2 =	por !p2, p0  }
0x20: {  	[sflag:s8] =	ssyncset.s32 @!p0 $0xFFFFF086;
	s6 =	sadd.s32 @!p0 s3, s7;
	s7 =	simm.s32 @!p0 $0x108  }
0x21: {  	s3 =	sadd.s32 s3, s9;
	s6 =	sadd.s32 @!p0 $0x88, s6;
	s7 =	simm.s32 @p2 $0x1082  }
0x22: {  	[simem:s7], [sflag:s8] =	dma.local @!p0 [hbm:s6], $0xF7A  }
0x23: {  	s9 =	sor.u32 $0xD0000000, s2;
	s6 =	simm.s32 $0x108;
	_ =	swait.ge @!p0 [sflag:s8], $0x0  }
0x24: {  	s3 =	sadd.s32 $0x88, s3;
	s6 =	simm.s32 @!p1 $0x1082;
	[sflag:s4] =	ssyncset.s32 $0xFFFFF086  }
0x25: {  	[simem:s6], [sflag:s4] =	dma.local [hbm:s3], $0xF7A  }
0x26: {  	[smem:$0x3F9F] =	sst s1;
	(tag) =	ssettag s2;
	_ =	strace s9  }
0x27: {  	s1 =	sld [smem:$0x3FAF]  }
0x28: {  	s2 =	sld [smem:$0x3FB0]  }
0x29: {  	s4 =	sld [smem:$0x3FB2]  }
0x2a: {  	p0 =	seq.s32 s5, $0x0;
	s5 =	sld [smem:$0x3FB3]  }
0x2b: {  	s6 =	sld [smem:$0x3FB4]  }
0x2c: {  	s7 =	sld [smem:$0x3FB5]  }
0x2d: {  	s3 =	simm.s32 $0x108;
	s8 =	sld [smem:$0x3FB6]  }
0x2e: {  	s3 =	simm.s32 @!p0 $0x1082;
	s9 =	sld [smem:$0x3FB7]  }
0x2f: {  	lr =	sadd.s32 s0, s3;
	s0 =	sld [smem:$0x3FAE]  }
0x30: {  	s3 =	sld [smem:$0x3FB1]  }
0x31: {  	[smem:$0x3FBA] =	sst s10  }
0x32: {  	s10 =	sld [smem:$0x3FB8];
	_ =	sdelay $0x3  }
0x33: {  	p0 =	seq.s32 s10, $0x1;
	s10 =	sld [smem:$0x3FBA];
	_ =	sdelay $0x3  }
0x34: {  	[smem:$0x3FBA] =	sst s10  }
0x35: {  	s10 =	sld [smem:$0x3FB9];
	_ =	sdelay $0x3  }
0x36: {  	p1 =	seq.s32 s10, $0x1;
	s10 =	sld [smem:$0x3FBA];
	_ =	sdelay $0x3  }
0x37: {  	[smem:$0x3FBA] =	sst s10  }
0x38: {  	s10 =	sld [smem:$0x3FBB]  }
0x39: {  	_ = 	snop;
	(pc) =	sbr.ind lr, $3  }
0x3a: {  	_ = 	snop  }
0x3b: {  	_ = 	snop  }
0x3c: {  	p2 =	seq.s32 s10, $0x1;
	s10 =	sld [smem:$0x3FBA]  }
0x3d: {  	_ =	shalt  }
0x3e: {  	_ =	shalt  }
0x3f: {  	_ =	shalt  }
0x40: {  	_ =	shalt  }
0x41: {  	_ =	shalt  }
0x42: {  	_ =	shalt  }
0x43: {  	_ =	shalt  }
0x44: {  	_ =	shalt  }
0x45: {  	_ =	shalt  }
0x46: {  	_ =	shalt  }
0x47: {  	_ =	shalt  }
0x48: {  	_ =	shalt  }
0x49: {  	_ =	shalt  }
0x4a: {  	_ =	shalt  }
0x4b: {  	_ =	shalt  }
0x4c: {  	_ =	shalt  }
0x4d: {  	_ =	shalt  }
0x4e: {  	_ =	shalt  }
0x4f: {  	_ =	shalt  }
0x50: {  	_ =	shalt  }
0x51: {  	_ =	shalt  }
0x52: {  	_ =	shalt  }
0x53: {  	_ =	shalt  }
0x54: {  	_ =	shalt  }
0x55: {  	_ =	shalt  }
0x56: {  	_ =	shalt  }
0x57: {  	_ =	shalt  }
0x58: {  	_ =	shalt  }
0x59: {  	_ =	shalt  }
0x5a: {  	_ =	shalt  }
0x5b: {  	_ =	shalt  }
0x5c: {  	_ =	shalt  }
0x5d: {  	_ =	shalt  }
0x5e: {  	_ =	shalt  }
0x5f: {  	_ =	shalt  }
0x60: {  	_ =	shalt  }
0x61: {  	_ =	shalt  }
0x62: {  	_ =	shalt  }
0x63: {  	_ =	shalt  }
0x64: {  	_ =	shalt  }
0x65: {  	_ =	shalt  }
0x66: {  	_ =	shalt  }
0x67: {  	_ =	shalt  }
0x68: {  	_ =	shalt  }
0x69: {  	_ =	shalt  }
0x6a: {  	_ =	shalt  }
0x6b: {  	_ =	shalt  }
0x6c: {  	_ =	shalt  }
0x6d: {  	_ =	shalt  }
0x6e: {  	_ =	shalt  }
0x6f: {  	_ =	shalt  }
0x70: {  	_ =	shalt  }
0x71: {  	_ =	shalt  }
0x72: {  	_ =	shalt  }
0x73: {  	_ =	shalt  }
0x74: {  	_ =	shalt  }
0x75: {  	_ =	shalt  }
0x76: {  	_ =	shalt  }
0x77: {  	_ =	shalt  }
0x78: {  	_ =	shalt  }
0x79: {  	_ =	shalt  }
0x7a: {  	_ =	shalt  }
0x7b: {  	_ =	shalt  }
0x7c: {  	_ =	shalt  }
0x7d: {  	_ =	shalt  }
0x7e: {  	_ =	shalt  }
0x7f: {  	_ =	shalt  }
0x80: {  	_ =	shalt  }
0x81: {  	_ =	shalt  }
0x82: {  	_ =	shalt  }
0x83: {  	_ =	shalt  }
0x84: {  	_ =	shalt  }
0x85: {  	_ =	shalt  }
0x86: {  	_ =	shalt  }
0x87: {  	_ =	shalt  }
.Lfunc_end0:
.L_simem_size_0:
called_computation_lowered:
.L_overlay_start_0:
0x88: {  	s2 =	sld [smem:$0x3FD9]  }
0x89: {  	s3 =	sld [smem:$0x3FFE];
	_ =	sdelay $0x1  }
0x8a: {  	s1 =	srdreg.scid  }
0x8b: {  	s0 =	sand.u32 $0x1, s1  }
0x8c: {  	s18 =	sshll.u32 s0, $0xA;
	s2 =	sadd.s32 s3, s2  }
0x8d: {  	s2 =	sadd.s32 s2, s18  }
0x8e: {  	[smem:$0x3FC6] =	sst s2  }
0x8f: {  	_ = 	snop  }
0x90: {  	s2 =	sld [smem:$0x3FC9]  }
0x91: {  	s19 =	sld [smem:$0x3FC8]  }
0x92: {  	s4 =	sld [smem:$0x3FD0];
	(tm) =	ssettm $0x1  }
0x93: {  	s5 =	sld [smem:$0x3FFB];
	_ =	sdelay $0x3  }
0x94: {  	_ =	strace s5  }
0x95: {  	s5 =	sld [smem:$0x3FFC];
	_ =	sdelay $0x3  }
0x96: {  	_ =	strace s5  }
0x97: {  	s5 =	sld [smem:$0x3FFD];
	_ =	sdelay $0x3  }
0x98: {  	_ =	strace s5  }
0x99: {  	_ =	strace $0x8FFFFFFF  }
0x9a: {  	s20 =	sld [smem:$0x3FDB];
	_ =	sdelay $0x1  }
0x9b: {  	s6 =	simm.s32 $_scs_section_size  }
0x9c: {  	s7 =	simm.s32 $_size__tile_overlayer_lowered;
	s8 =	simm.s32 $_tile_overlayer_lowered  }
0x9d: {  	s23 =	simm.s32 $0x1BFF;
	s22 =	sshll.u32 s8, $0x1;
	s5 =	sadd.s32 s6, s20  }
0x9e: {  	s9 =	simm.s32 $0x0;
	s21 =	sshll.u32 s7, $0x1;
	s7 =	sadd.s32 s22, s5  }
0x9f: {  	[timem:s9], [sflag:s23] =	dma.local [hbm:s7], s21  }
0xa0: {  	_ =	swait.ge [sflag:s23], s21  }
0xa1: {  	s6 =	ssub.s32 $0x0, s21;
	[sflag:s23] =	ssyncset.done $0x0  }
0xa2: {  	[sflag:s23] =	ssyncadd.s32 s6;
	_ =	sdelay $0x1  }
0xa3: {  	s24 =	simm.s32 $0x1B8B  }
0xa4: {  	_ =	swait.ge [sflag:s24], $0x1  }
0xa5: {  	[sflag:s24] =	ssyncset.done $0x0  }
0xa6: {  	s25 =	simm.s32 $0x1B8E;
	[sflag:s24] =	ssyncadd.s32 $0xFFFFFFFF  }
0xa7: {  	s26 =	simm.s32 $execute0_lowered;
	[smem:$0x3FD2] =	sst s25  }
0xa8: {  	s6 =	sshll.u32 s26, $0x1;
	_ =	strace $0x80000046;
	[dreg:$0x1] =	wrdreg $0xFFFFFFFF  }
0xa9: {  	s28 =	simm.s32 $_size_execute0_lowered;
	s5 =	sadd.s32 s5, s6;
	[dreg:$0x0] =	wrdreg $0x0  }
0xaa: {  	s6 =	sshll.u32 s28, $0x1;
	[dreg:$0x2] =	wrdreg s5  }
0xab: {  	[dreg:$0x3] =	wrdreg s6  }
0xac: {  	[dreg:$0x4] =	wrdreg $0xC0  }
0xad: {  	_ =	task [dreg:s9], $0x5FFFF  }
0xae: {  	[dreg:$0x1] =	wrdreg $0xFFFFFFFF  }
0xaf: {  	[dreg:$0x0] =	wrdreg $0x60  }
0xb0: {  	[dreg:$0x2] =	wrdreg s2  }
0xb1: {  	[dreg:$0x3] =	wrdreg s19  }
0xb2: {  	[dreg:$0x4] =	wrdreg s4  }
0xb3: {  	[dreg:$0x5] =	wrdreg $0x9  }
0xb4: {  	_ =	task.clear_ibuf [dreg:s9], $0x6FFFF;
	_ =	strace $0x90000046  }
0xb5: {  	s29 =	simm.s32 $0x9;
	_ =	strace $0x80000048  }
0xb6: {  	_ =	swait.ge [sflag:s29], $0x1  }
0xb7: {  	[sflag:s29] =	ssyncadd.s32 $0xFFFFFFFF  }
0xb8: {  	_ =	strace $0x90000048  }
0xb9: {  	_ =	sfence  }
0xba: {  	s30 =	sld [smem:$0x0];
	_ =	sdelay $0x2  }
0xbb: {  	s31 =	sshll.u32 s1, $0xD;
	s1 =	sshrl.u32 s1, $0x2  }
0xbc: {  	s3 =	sand.u32 $0x4000, s31;
	s1 =	sadd.s32 s1, s30  }
0xbd: {  	s0 =	sor.u32 s3, s0;
	s1 =	sshll.u32 s1, $0x11  }
0xbe: {  	s0 =	sor.u32 s1, s0  }
0xbf: {  	s0 =	sadd.s32 $0x8F2B, s0  }
0xc0: {  	[sflag:s0] =	ssyncadd.remote.s32 $0x1  }
0xc1: {  	_ =	sfence.sel $0xFFFF  }
0xc2: {  	[dreg:$0x0] =	wrdreg $0xFFFFFFFF;
	(pc) =	sbr.abs _section_cstart, $3  }
0xc3: {  	[dreg:$0x1] =	wrdreg $0xFFFFFFFF  }
0xc4: {  	_ =	task.clear_ibuf [dreg:s9], $0x2FFFF;
	_ =	strace $0x9FFFFFFF  }
0xc5: {  	(tm) =	ssettm $0x7FFFFFFF  }
tec
execute0_lowered:
.L_overlay_start_1:
0x0: {  	(tag) =	ssettag $0x1  }
0x1: {  	s1 =	rddreg [dreg:$0x0]  }
0x2: {  	s3 =	rddreg [dreg:$0x1]  }
0x3: {  	s4 =	rddreg [dreg:$0x2];
	s5 =	srdreg.scid  }
0x4: {  	s0 =	rddreg [dreg:$0x3];
	s2 =	stileid.u32;
	s13 =	simm.s32 $0x8000  }
0x5: {  	s14 =	simm.s32 $0x10000;
	s15 =	simm.s32 $0x3;
	s16 =	simm.s32 $0x1  }
0x6: {  	s17 =	simm.s32 $0x2;
	s18 =	simm.s32 $0x0;
	s7 =	sand.u32 $0x1, s5  }
0x7: {  	s5 =	simm.s32 $0x0;
	s6 =	sshll.u32 s2, $0x9;
	s8 =	sshll.u32 s7, $0x8  }
.Ltmp0:
0x8: {  	[smem:$0x7FF] =	sst s5;
	s31 =	ssub.s32 $0x2, s7;
	(pc) =	sbr.rel .LBB2_1-.Ltmp0, $4  }
0x9: {  	s6 =	sor.u32 s8, s6;
	_ =	strace $0x80000047;
	s9 =	sshrl.u32 s31, $0x1  }
0xa: {  	s7 =	sor.u32 $0x2000, s6;
	s10 =	sshll.u32 s6, $0x7;
	s12 =	ssub.s32 s31, s9  }
0xb: {  	s11 =	sshll.u32 s7, $0x7;
	s8 =	sadd.s32 s1, s10;
	s10 =	sor.u32 $0x20, s6  }
0xc: {  	s12 =	smax.u32 s12, $0x1;
	s9 =	sadd.s32 s1, s11;
	s11 =	sor.u32 $0x2020, s6  }
.LBB2_20:
0xd: {  	s18 =	sadd.s32 $0x1, s18  }
0xe: {  	p0 =	sne.s32 s18, s12  }
.Ltmp1:
0xf: {  	_ = 	snop;
	(pc) =	sbr.rel @!p0 .LBB2_21-.Ltmp1, $1  }
0x10: {  	_ =	sdelay $0x3  }
.LBB2_1:
0x11: {  	[tilespmem:s5], [sflag:$0x1] =	stream.linear.gather [hbm4b:s8+s5], $0x8000, $0x38;
	[tilespmem:$0x18000] =	vst v63  }
0x12: {  	s19 =	simm.s32 $0x0  }
0x13: {  	[tilespmem:s13], [sflag:$0x2] =	stream.linear.gather [hbm4b:s9+s5], $0x8000, $0x38;
	[tilespmem:$0x18000] =	vst v63  }
.LBB2_2:
0x14: {  	s20 =	sshll.u32 s19, $0x5  }
0x15: {  	s21 =	sor.u32 s6, s20  }
0x16: {  	s21 =	sshll.u32 s21, $0x7  }
0x17: {  	s22 =	simm.s32 $0x0;
	s23 =	sadd.s32 s3, s21  }
0x18: {  	[tilespmem:s14], [sflag:$0x3] =	stream.linear.gather [hbm4b:s23+s22], $0x8000, $0x38;
	[tilespmem:$0x18000] =	vst v63  }
0x19: {  	_ =	swait.ge [sflag:s15], $0x8000  }
0x1a: {  	[sflag:s15] =	ssyncset.done $0x0  }
0x1b: {  	[sflag:s15] =	ssyncadd.s32 $0xFFFF8000  }
0x1c: {  	_ =	swait.ge [sflag:s16], $0x8000  }
0x1d: {  	[sflag:s16] =	ssyncset.done $0x0  }
0x1e: {  	s24 =	simm.s32 $0x0;
	s23 =	simm.s32 $0x0;
	[sflag:s16] =	ssyncadd.s32 $0xFFFF8000  }
.LBB2_3:
0x1f: {  	s25 =	sshll.u32 s23, $0x2;
	s26 =	sand.u32 $0x7, s22  }
0x20: {  	s25 =	sand.u32 $0xFFFF8000, s25;
	s26 =	sshll.u32 s26, $0x9  }
0x21: {  	s25 =	sor.u32 s26, s25  }
0x22: {  	s26 =	sshrl.u32 s25, $0x2  }
0x23: {  	s25 =	sor.u32 $0x40, s26  }
0x24: {  	s26 =	sadd.s32 $0x10040, s26;
	v0 =	vld [tilespmem:s25+$0xFFFFFFC0]  }
0x25: {  	v1 =	vld [tilespmem:s26+$0xFFFFFFC0];
	_ =	sdelay $0x4  }
0x26: {  	v0 =	vadd.f32 v1, v0;
	_ =	sdelay $0x1  }
0x27: {  	[tilespmem:s25+$0xFFFFFFC0] =	vst v0;
	v0 =	vld [tilespmem:s25+$0xFFFFFFD0]  }
0x28: {  	v1 =	vld [tilespmem:s26+$0xFFFFFFD0];
	_ =	sdelay $0x4  }
0x29: {  	v0 =	vadd.f32 v1, v0;
	_ =	sdelay $0x1  }
0x2a: {  	[tilespmem:s25+$0xFFFFFFD0] =	vst v0;
	v0 =	vld [tilespmem:s25+$0xFFFFFFE0]  }
0x2b: {  	v1 =	vld [tilespmem:s26+$0xFFFFFFE0];
	_ =	sdelay $0x4  }
0x2c: {  	v0 =	vadd.f32 v1, v0;
	_ =	sdelay $0x1  }
0x2d: {  	[tilespmem:s25+$0xFFFFFFE0] =	vst v0;
	v0 =	vld [tilespmem:s25+$0xFFFFFFF0]  }
0x2e: {  	v1 =	vld [tilespmem:s26+$0xFFFFFFF0];
	_ =	sdelay $0x4  }
0x2f: {  	v0 =	vadd.f32 v1, v0;
	_ =	sdelay $0x1  }
0x30: {  	[tilespmem:s25+$0xFFFFFFF0] =	vst v0;
	v0 =	vld [tilespmem:s25+$0x0]  }
0x31: {  	v1 =	vld [tilespmem:s26+$0x0];
	_ =	sdelay $0x4  }
0x32: {  	v0 =	vadd.f32 v1, v0;
	_ =	sdelay $0x1  }
0x33: {  	[tilespmem:s25+$0x0] =	vst v0;
	v0 =	vld [tilespmem:s25+$0x10]  }
0x34: {  	v1 =	vld [tilespmem:s26+$0x10];
	_ =	sdelay $0x4  }
0x35: {  	v0 =	vadd.f32 v1, v0;
	_ =	sdelay $0x1  }
0x36: {  	[tilespmem:s25+$0x10] =	vst v0;
	v0 =	vld [tilespmem:s25+$0x20]  }
0x37: {  	v1 =	vld [tilespmem:s26+$0x20];
	_ =	sdelay $0x4  }
0x38: {  	v0 =	vadd.f32 v1, v0;
	_ =	sdelay $0x1  }
0x39: {  	[tilespmem:s25+$0x20] =	vst v0;
	v0 =	vld [tilespmem:s25+$0x30]  }
0x3a: {  	v1 =	vld [tilespmem:s26+$0x30];
	_ =	sdelay $0x4  }
0x3b: {  	v0 =	vadd.f32 v1, v0  }
0x3c: {  	s28 =	simm.s32 $0x0;
	s29 =	sadd.s32 $0x400, s25  }
.LBB2_4:
0x3d: {  	v1 =	vld [tilespmem:s29+$0xFFFFFFC0];
	[tilespmem:s25+$0x30] =	vst v0;
	s26 =	sadd.s32 $0x400, s26;
	s25 =	smov.u32 s29  }
0x3e: {  	s28 =	sadd.s32 $0x8, s28;
	v0 =	vld [tilespmem:s26+$0xFFFFFFC0]  }
0x3f: {  	p0 =	slt.u32 s28, $0x38;
	_ =	sdelay $0x3  }
0x40: {  	v0 =	vadd.f32 v0, v1;
	_ =	sdelay $0x1  }
0x41: {  	[tilespmem:s29+$0xFFFFFFC0] =	vst v0;
	v0 =	vld [tilespmem:s29+$0xFFFFFFD0]  }
0x42: {  	v1 =	vld [tilespmem:s26+$0xFFFFFFD0];
	_ =	sdelay $0x4  }
0x43: {  	v0 =	vadd.f32 v1, v0;
	_ =	sdelay $0x1  }
0x44: {  	[tilespmem:s29+$0xFFFFFFD0] =	vst v0;
	v0 =	vld [tilespmem:s29+$0xFFFFFFE0]  }
0x45: {  	v1 =	vld [tilespmem:s26+$0xFFFFFFE0];
	_ =	sdelay $0x4  }
0x46: {  	v0 =	vadd.f32 v1, v0;
	_ =	sdelay $0x1  }
0x47: {  	[tilespmem:s29+$0xFFFFFFE0] =	vst v0;
	v0 =	vld [tilespmem:s29+$0xFFFFFFF0]  }
0x48: {  	v1 =	vld [tilespmem:s26+$0xFFFFFFF0];
	_ =	sdelay $0x4  }
0x49: {  	v0 =	vadd.f32 v1, v0;
	_ =	sdelay $0x1  }
0x4a: {  	[tilespmem:s29+$0xFFFFFFF0] =	vst v0;
	v0 =	vld [tilespmem:s29+$0x0]  }
0x4b: {  	v1 =	vld [tilespmem:s26+$0x0];
	_ =	sdelay $0x4  }
0x4c: {  	v0 =	vadd.f32 v1, v0;
	_ =	sdelay $0x1  }
0x4d: {  	[tilespmem:s29+$0x0] =	vst v0;
	v0 =	vld [tilespmem:s29+$0x10]  }
0x4e: {  	v1 =	vld [tilespmem:s26+$0x10];
	_ =	sdelay $0x4  }
0x4f: {  	v0 =	vadd.f32 v1, v0;
	_ =	sdelay $0x1  }
0x50: {  	[tilespmem:s29+$0x10] =	vst v0;
	v0 =	vld [tilespmem:s29+$0x20]  }
0x51: {  	v1 =	vld [tilespmem:s26+$0x20];
	_ =	sdelay $0x4  }
0x52: {  	v0 =	vadd.f32 v1, v0;
	_ =	sdelay $0x1  }
0x53: {  	[tilespmem:s29+$0x20] =	vst v0;
	v0 =	vld [tilespmem:s29+$0x30]  }
0x54: {  	v1 =	vld [tilespmem:s26+$0x30];
	_ =	sdelay $0x1  }
.Ltmp2:
0x55: {  	(pc) =	sbr.rel @p0 .LBB2_4-.Ltmp2, $3  }
0x56: {  	_ =	sdelay $0x1  }
0x57: {  	v0 =	vadd.f32 v1, v0  }
0x58: {  	s29 =	sadd.s32 $0x400, s29  }
0x59: {  	s24 =	sadd.s32 $0x1, s24  }
0x5a: {  	p0 =	sne.s32 s24, $0x20  }
.Ltmp3:
0x5b: {  	_ = 	snop;
	(pc) =	sbr.rel @p0 .LBB2_3-.Ltmp3, $2  }
0x5c: {  	_ =	sdelay $0x2  }
0x5d: {  	[tilespmem:s25+$0x30] =	vst v0;
	s23 =	sadd.s32 $0x400, s23;
	s22 =	sadd.s32 $0x1, s22  }
0x5e: {  	s22 =	sadd.s32 s4, s21;
	s23 =	simm.s32 $0x0  }
0x5f: {  	[hbm4b:s22+s23] =	stream.linear.scatter [tilespmem:s23], [sflag:$0x3], $0x8000, $0x38;
	[tilespmem:$0x18000] =	vst v63  }
0x60: {  	_ =	swait.ge [sflag:s15], $0x8000  }
0x61: {  	s22 =	sor.u32 $0x200000, s21;
	[sflag:s15] =	ssyncset.done $0x0  }
0x62: {  	s24 =	sadd.s32 s1, s22;
	[sflag:s15] =	ssyncadd.s32 $0xFFFF8000  }
0x63: {  	[tilespmem:s23], [sflag:$0x1] =	stream.linear.gather [hbm4b:s24+s23], $0x8000, $0x38;
	[tilespmem:$0x18000] =	vst v63  }
0x64: {  	_ =	swait.ge [sflag:s17], $0x8000  }
0x65: {  	[sflag:s17] =	ssyncset.done $0x0  }
0x66: {  	s25 =	simm.s32 $0x0;
	s24 =	simm.s32 $0x0;
	[sflag:s17] =	ssyncadd.s32 $0xFFFF8000  }
.LBB2_7:
0x67: {  	s26 =	sshll.u32 s24, $0x2;
	s28 =	sand.u32 $0x7, s23  }
0x68: {  	s26 =	sand.u32 $0xFFFF8000, s26;
	s28 =	sshll.u32 s28, $0x9  }
0x69: {  	s26 =	sor.u32 s28, s26  }
0x6a: {  	s28 =	sshrl.u32 s26, $0x2  }
0x6b: {  	s26 =	sadd.s32 $0x8040, s28  }
0x6c: {  	s28 =	sadd.s32 $0x10040, s28;
	v0 =	vld [tilespmem:s26+$0xFFFFFFC0]  }
0x6d: {  	v1 =	vld [tilespmem:s28+$0xFFFFFFC0];
	_ =	sdelay $0x4  }
0x6e: {  	v0 =	vadd.f32 v1, v0;
	_ =	sdelay $0x1  }
0x6f: {  	[tilespmem:s26+$0xFFFFFFC0] =	vst v0;
	v0 =	vld [tilespmem:s26+$0xFFFFFFD0]  }
0x70: {  	v1 =	vld [tilespmem:s28+$0xFFFFFFD0];
	_ =	sdelay $0x4  }
0x71: {  	v0 =	vadd.f32 v1, v0;
	_ =	sdelay $0x1  }
0x72: {  	[tilespmem:s26+$0xFFFFFFD0] =	vst v0;
	v0 =	vld [tilespmem:s26+$0xFFFFFFE0]  }
0x73: {  	v1 =	vld [tilespmem:s28+$0xFFFFFFE0];
	_ =	sdelay $0x4  }
0x74: {  	v0 =	vadd.f32 v1, v0;
	_ =	sdelay $0x1  }
0x75: {  	[tilespmem:s26+$0xFFFFFFE0] =	vst v0;
	v0 =	vld [tilespmem:s26+$0xFFFFFFF0]  }
0x76: {  	v1 =	vld [tilespmem:s28+$0xFFFFFFF0];
	_ =	sdelay $0x4  }
0x77: {  	v0 =	vadd.f32 v1, v0;
	_ =	sdelay $0x1  }
0x78: {  	[tilespmem:s26+$0xFFFFFFF0] =	vst v0;
	v0 =	vld [tilespmem:s26+$0x0]  }
0x79: {  	v1 =	vld [tilespmem:s28+$0x0];
	_ =	sdelay $0x4  }
0x7a: {  	v0 =	vadd.f32 v1, v0;
	_ =	sdelay $0x1  }
0x7b: {  	[tilespmem:s26+$0x0] =	vst v0;
	v0 =	vld [tilespmem:s26+$0x10]  }
0x7c: {  	v1 =	vld [tilespmem:s28+$0x10];
	_ =	sdelay $0x4  }
0x7d: {  	v0 =	vadd.f32 v1, v0;
	_ =	sdelay $0x1  }
0x7e: {  	[tilespmem:s26+$0x10] =	vst v0;
	v0 =	vld [tilespmem:s26+$0x20]  }
0x7f: {  	v1 =	vld [tilespmem:s28+$0x20];
	_ =	sdelay $0x4  }
0x80: {  	v0 =	vadd.f32 v1, v0;
	_ =	sdelay $0x1  }
0x81: {  	[tilespmem:s26+$0x20] =	vst v0;
	v0 =	vld [tilespmem:s26+$0x30]  }
0x82: {  	v1 =	vld [tilespmem:s28+$0x30];
	_ =	sdelay $0x4  }
0x83: {  	v0 =	vadd.f32 v1, v0  }
0x84: {  	s29 =	simm.s32 $0x0;
	s30 =	sadd.s32 $0x400, s26  }
.LBB2_8:
0x85: {  	v1 =	vld [tilespmem:s30+$0xFFFFFFC0];
	[tilespmem:s26+$0x30] =	vst v0;
	s28 =	sadd.s32 $0x400, s28;
	s26 =	smov.u32 s30  }
0x86: {  	s29 =	sadd.s32 $0x8, s29;
	v0 =	vld [tilespmem:s28+$0xFFFFFFC0]  }
0x87: {  	p0 =	slt.u32 s29, $0x38;
	_ =	sdelay $0x3  }
0x88: {  	v0 =	vadd.f32 v0, v1;
	_ =	sdelay $0x1  }
0x89: {  	[tilespmem:s30+$0xFFFFFFC0] =	vst v0;
	v0 =	vld [tilespmem:s30+$0xFFFFFFD0]  }
0x8a: {  	v1 =	vld [tilespmem:s28+$0xFFFFFFD0];
	_ =	sdelay $0x4  }
0x8b: {  	v0 =	vadd.f32 v1, v0;
	_ =	sdelay $0x1  }
0x8c: {  	[tilespmem:s30+$0xFFFFFFD0] =	vst v0;
	v0 =	vld [tilespmem:s30+$0xFFFFFFE0]  }
0x8d: {  	v1 =	vld [tilespmem:s28+$0xFFFFFFE0];
	_ =	sdelay $0x4  }
0x8e: {  	v0 =	vadd.f32 v1, v0;
	_ =	sdelay $0x1  }
0x8f: {  	[tilespmem:s30+$0xFFFFFFE0] =	vst v0;
	v0 =	vld [tilespmem:s30+$0xFFFFFFF0]  }
0x90: {  	v1 =	vld [tilespmem:s28+$0xFFFFFFF0];
	_ =	sdelay $0x4  }
0x91: {  	v0 =	vadd.f32 v1, v0;
	_ =	sdelay $0x1  }
0x92: {  	[tilespmem:s30+$0xFFFFFFF0] =	vst v0;
	v0 =	vld [tilespmem:s30+$0x0]  }
0x93: {  	v1 =	vld [tilespmem:s28+$0x0];
	_ =	sdelay $0x4  }
0x94: {  	v0 =	vadd.f32 v1, v0;
	_ =	sdelay $0x1  }
0x95: {  	[tilespmem:s30+$0x0] =	vst v0;
	v0 =	vld [tilespmem:s30+$0x10]  }
0x96: {  	v1 =	vld [tilespmem:s28+$0x10];
	_ =	sdelay $0x4  }
0x97: {  	v0 =	vadd.f32 v1, v0;
	_ =	sdelay $0x1  }
0x98: {  	[tilespmem:s30+$0x10] =	vst v0;
	v0 =	vld [tilespmem:s30+$0x20]  }
0x99: {  	v1 =	vld [tilespmem:s28+$0x20];
	_ =	sdelay $0x4  }
0x9a: {  	v0 =	vadd.f32 v1, v0;
	_ =	sdelay $0x1  }
0x9b: {  	[tilespmem:s30+$0x20] =	vst v0;
	v0 =	vld [tilespmem:s30+$0x30]  }
0x9c: {  	v1 =	vld [tilespmem:s28+$0x30];
	_ =	sdelay $0x1  }
.Ltmp4:
0x9d: {  	(pc) =	sbr.rel @p0 .LBB2_8-.Ltmp4, $3  }
0x9e: {  	_ =	sdelay $0x1  }
0x9f: {  	v0 =	vadd.f32 v1, v0  }
0xa0: {  	s30 =	sadd.s32 $0x400, s30  }
0xa1: {  	s25 =	sadd.s32 $0x1, s25  }
0xa2: {  	p0 =	sne.s32 s25, $0x20  }
.Ltmp5:
0xa3: {  	_ = 	snop;
	(pc) =	sbr.rel @p0 .LBB2_7-.Ltmp5, $2  }
0xa4: {  	_ =	sdelay $0x2  }
0xa5: {  	[tilespmem:s26+$0x30] =	vst v0;
	s24 =	sadd.s32 $0x400, s24;
	s23 =	sadd.s32 $0x1, s23  }
0xa6: {  	s23 =	sadd.s32 s7, s20  }
0xa7: {  	s23 =	sshll.u32 s23, $0x7  }
0xa8: {  	s24 =	sadd.s32 s4, s23;
	s23 =	simm.s32 $0x0  }
0xa9: {  	[hbm4b:s24+s23] =	stream.linear.scatter [tilespmem:s13], [sflag:$0x3], $0x8000, $0x38;
	[tilespmem:$0x18000] =	vst v63  }
0xaa: {  	_ =	swait.ge [sflag:s15], $0x8000  }
0xab: {  	s21 =	sor.u32 $0x300000, s21;
	[sflag:s15] =	ssyncset.done $0x0  }
0xac: {  	s31 =	sadd.s32 s1, s21;
	[sflag:s15] =	ssyncadd.s32 $0xFFFF8000  }
0xad: {  	[tilespmem:s13], [sflag:$0x2] =	stream.linear.gather [hbm4b:s31+s23], $0x8000, $0x38;
	[tilespmem:$0x18000] =	vst v63  }
0xae: {  	_ =	swait.ge [sflag:s16], $0x8000  }
0xaf: {  	[sflag:s16] =	ssyncset.done $0x0  }
0xb0: {  	s25 =	simm.s32 $0x0;
	s24 =	simm.s32 $0x0;
	[sflag:s16] =	ssyncadd.s32 $0xFFFF8000  }
.LBB2_11:
0xb1: {  	s26 =	sshll.u32 s24, $0x2;
	s28 =	sand.u32 $0x7, s23  }
0xb2: {  	s26 =	sand.u32 $0xFFFF8000, s26;
	s28 =	sshll.u32 s28, $0x9  }
0xb3: {  	s26 =	sor.u32 s28, s26  }
0xb4: {  	s28 =	sshrl.u32 s26, $0x2  }
0xb5: {  	s26 =	sor.u32 $0x40, s28  }
0xb6: {  	s28 =	sadd.s32 $0x10040, s28;
	v0 =	vld [tilespmem:s26+$0xFFFFFFC0]  }
0xb7: {  	v1 =	vld [tilespmem:s28+$0xFFFFFFC0];
	_ =	sdelay $0x4  }
0xb8: {  	v0 =	vadd.f32 v1, v0;
	_ =	sdelay $0x1  }
0xb9: {  	[tilespmem:s26+$0xFFFFFFC0] =	vst v0;
	v0 =	vld [tilespmem:s26+$0xFFFFFFD0]  }
0xba: {  	v1 =	vld [tilespmem:s28+$0xFFFFFFD0];
	_ =	sdelay $0x4  }
0xbb: {  	v0 =	vadd.f32 v1, v0;
	_ =	sdelay $0x1  }
0xbc: {  	[tilespmem:s26+$0xFFFFFFD0] =	vst v0;
	v0 =	vld [tilespmem:s26+$0xFFFFFFE0]  }
0xbd: {  	v1 =	vld [tilespmem:s28+$0xFFFFFFE0];
	_ =	sdelay $0x4  }
0xbe: {  	v0 =	vadd.f32 v1, v0;
	_ =	sdelay $0x1  }
0xbf: {  	[tilespmem:s26+$0xFFFFFFE0] =	vst v0;
	v0 =	vld [tilespmem:s26+$0xFFFFFFF0]  }
0xc0: {  	v1 =	vld [tilespmem:s28+$0xFFFFFFF0];
	_ =	sdelay $0x4  }
0xc1: {  	v0 =	vadd.f32 v1, v0;
	_ =	sdelay $0x1  }
0xc2: {  	[tilespmem:s26+$0xFFFFFFF0] =	vst v0;
	v0 =	vld [tilespmem:s26+$0x0]  }
0xc3: {  	v1 =	vld [tilespmem:s28+$0x0];
	_ =	sdelay $0x4  }
0xc4: {  	v0 =	vadd.f32 v1, v0;
	_ =	sdelay $0x1  }
0xc5: {  	[tilespmem:s26+$0x0] =	vst v0;
	v0 =	vld [tilespmem:s26+$0x10]  }
0xc6: {  	v1 =	vld [tilespmem:s28+$0x10];
	_ =	sdelay $0x4  }
0xc7: {  	v0 =	vadd.f32 v1, v0;
	_ =	sdelay $0x1  }
0xc8: {  	[tilespmem:s26+$0x10] =	vst v0;
	v0 =	vld [tilespmem:s26+$0x20]  }
0xc9: {  	v1 =	vld [tilespmem:s28+$0x20];
	_ =	sdelay $0x4  }
0xca: {  	v0 =	vadd.f32 v1, v0;
	_ =	sdelay $0x1  }
0xcb: {  	[tilespmem:s26+$0x20] =	vst v0;
	v0 =	vld [tilespmem:s26+$0x30]  }
0xcc: {  	v1 =	vld [tilespmem:s28+$0x30];
	_ =	sdelay $0x4  }
0xcd: {  	v0 =	vadd.f32 v1, v0  }
0xce: {  	s29 =	simm.s32 $0x0;
	s30 =	sadd.s32 $0x400, s26  }
.LBB2_12:
0xcf: {  	v1 =	vld [tilespmem:s30+$0xFFFFFFC0];
	[tilespmem:s26+$0x30] =	vst v0;
	s28 =	sadd.s32 $0x400, s28;
	s26 =	smov.u32 s30  }
0xd0: {  	s29 =	sadd.s32 $0x8, s29;
	v0 =	vld [tilespmem:s28+$0xFFFFFFC0]  }
0xd1: {  	p0 =	slt.u32 s29, $0x38;
	_ =	sdelay $0x3  }
0xd2: {  	v0 =	vadd.f32 v0, v1;
	_ =	sdelay $0x1  }
0xd3: {  	[tilespmem:s30+$0xFFFFFFC0] =	vst v0;
	v0 =	vld [tilespmem:s30+$0xFFFFFFD0]  }
0xd4: {  	v1 =	vld [tilespmem:s28+$0xFFFFFFD0];
	_ =	sdelay $0x4  }
0xd5: {  	v0 =	vadd.f32 v1, v0;
	_ =	sdelay $0x1  }
0xd6: {  	[tilespmem:s30+$0xFFFFFFD0] =	vst v0;
	v0 =	vld [tilespmem:s30+$0xFFFFFFE0]  }
0xd7: {  	v1 =	vld [tilespmem:s28+$0xFFFFFFE0];
	_ =	sdelay $0x4  }
0xd8: {  	v0 =	vadd.f32 v1, v0;
	_ =	sdelay $0x1  }
0xd9: {  	[tilespmem:s30+$0xFFFFFFE0] =	vst v0;
	v0 =	vld [tilespmem:s30+$0xFFFFFFF0]  }
0xda: {  	v1 =	vld [tilespmem:s28+$0xFFFFFFF0];
	_ =	sdelay $0x4  }
0xdb: {  	v0 =	vadd.f32 v1, v0;
	_ =	sdelay $0x1  }
0xdc: {  	[tilespmem:s30+$0xFFFFFFF0] =	vst v0;
	v0 =	vld [tilespmem:s30+$0x0]  }
0xdd: {  	v1 =	vld [tilespmem:s28+$0x0];
	_ =	sdelay $0x4  }
0xde: {  	v0 =	vadd.f32 v1, v0;
	_ =	sdelay $0x1  }
0xdf: {  	[tilespmem:s30+$0x0] =	vst v0;
	v0 =	vld [tilespmem:s30+$0x10]  }
0xe0: {  	v1 =	vld [tilespmem:s28+$0x10];
	_ =	sdelay $0x4  }
0xe1: {  	v0 =	vadd.f32 v1, v0;
	_ =	sdelay $0x1  }
0xe2: {  	[tilespmem:s30+$0x10] =	vst v0;
	v0 =	vld [tilespmem:s30+$0x20]  }
0xe3: {  	v1 =	vld [tilespmem:s28+$0x20];
	_ =	sdelay $0x4  }
0xe4: {  	v0 =	vadd.f32 v1, v0;
	_ =	sdelay $0x1  }
0xe5: {  	[tilespmem:s30+$0x20] =	vst v0;
	v0 =	vld [tilespmem:s30+$0x30]  }
0xe6: {  	v1 =	vld [tilespmem:s28+$0x30];
	_ =	sdelay $0x1  }
.Ltmp6:
0xe7: {  	(pc) =	sbr.rel @p0 .LBB2_12-.Ltmp6, $3  }
0xe8: {  	_ =	sdelay $0x1  }
0xe9: {  	v0 =	vadd.f32 v1, v0  }
0xea: {  	s30 =	sadd.s32 $0x400, s30  }
0xeb: {  	s25 =	sadd.s32 $0x1, s25  }
0xec: {  	p0 =	sne.s32 s25, $0x20  }
.Ltmp7:
0xed: {  	_ = 	snop;
	(pc) =	sbr.rel @p0 .LBB2_11-.Ltmp7, $2  }
0xee: {  	_ =	sdelay $0x2  }
0xef: {  	[tilespmem:s26+$0x30] =	vst v0;
	s24 =	sadd.s32 $0x400, s24;
	s23 =	sadd.s32 $0x1, s23  }
0xf0: {  	s22 =	sadd.s32 s4, s22;
	p0 =	seq.s32 s19, $0x7  }
0xf1: {  	[hbm4b:s22+s5] =	stream.linear.scatter [tilespmem:s5], [sflag:$0x3], $0x8000, $0x38;
	[tilespmem:$0x18000] =	vst v63  }
0xf2: {  	s22 =	sadd.s32 @!p0 s20, s10;
	_ =	swait.ge [sflag:s15], $0x8000  }
0xf3: {  	s22 =	sshll.u32 @!p0 s22, $0x7;
	[sflag:s15] =	ssyncset.done $0x0  }
0xf4: {  	s23 =	simm.s32 @!p0 $0x0;
	s22 =	sadd.s32 @!p0 s1, s22;
	[sflag:s15] =	ssyncadd.s32 $0xFFFF8000  }
0xf5: {  	[tilespmem:s23], [sflag:$0x1] =	stream.linear.gather @!p0 [hbm4b:s22+s23], $0x8000, $0x38;
	[tilespmem:$0x18000] =	vst v63  }
0xf6: {  	_ =	swait.ge [sflag:s17], $0x8000  }
0xf7: {  	s24 =	simm.s32 $0x0;
	[sflag:s17] =	ssyncset.done $0x0  }
0xf8: {  	s22 =	simm.s32 $0x0;
	s23 =	simm.s32 $0x0;
	[sflag:s17] =	ssyncadd.s32 $0xFFFF8000  }
.LBB2_15:
0xf9: {  	s25 =	sshll.u32 s23, $0x2;
	s26 =	sand.u32 $0x7, s22  }
0xfa: {  	s25 =	sand.u32 $0xFFFF8000, s25;
	s26 =	sshll.u32 s26, $0x9  }
0xfb: {  	s25 =	sor.u32 s26, s25  }
0xfc: {  	s26 =	sshrl.u32 s25, $0x2  }
0xfd: {  	s25 =	sadd.s32 $0x8040, s26  }
0xfe: {  	s26 =	sadd.s32 $0x10040, s26;
	v0 =	vld [tilespmem:s25+$0xFFFFFFC0]  }
0xff: {  	v1 =	vld [tilespmem:s26+$0xFFFFFFC0];
	_ =	sdelay $0x4  }
0x100: {  	v0 =	vadd.f32 v1, v0;
	_ =	sdelay $0x1  }
0x101: {  	[tilespmem:s25+$0xFFFFFFC0] =	vst v0;
	v0 =	vld [tilespmem:s25+$0xFFFFFFD0]  }
0x102: {  	v1 =	vld [tilespmem:s26+$0xFFFFFFD0];
	_ =	sdelay $0x4  }
0x103: {  	v0 =	vadd.f32 v1, v0;
	_ =	sdelay $0x1  }
0x104: {  	[tilespmem:s25+$0xFFFFFFD0] =	vst v0;
	v0 =	vld [tilespmem:s25+$0xFFFFFFE0]  }
0x105: {  	v1 =	vld [tilespmem:s26+$0xFFFFFFE0];
	_ =	sdelay $0x4  }
0x106: {  	v0 =	vadd.f32 v1, v0;
	_ =	sdelay $0x1  }
0x107: {  	[tilespmem:s25+$0xFFFFFFE0] =	vst v0;
	v0 =	vld [tilespmem:s25+$0xFFFFFFF0]  }
0x108: {  	v1 =	vld [tilespmem:s26+$0xFFFFFFF0];
	_ =	sdelay $0x4  }
0x109: {  	v0 =	vadd.f32 v1, v0;
	_ =	sdelay $0x1  }
0x10a: {  	[tilespmem:s25+$0xFFFFFFF0] =	vst v0;
	v0 =	vld [tilespmem:s25+$0x0]  }
0x10b: {  	v1 =	vld [tilespmem:s26+$0x0];
	_ =	sdelay $0x4  }
0x10c: {  	v0 =	vadd.f32 v1, v0;
	_ =	sdelay $0x1  }
0x10d: {  	[tilespmem:s25+$0x0] =	vst v0;
	v0 =	vld [tilespmem:s25+$0x10]  }
0x10e: {  	v1 =	vld [tilespmem:s26+$0x10];
	_ =	sdelay $0x4  }
0x10f: {  	v0 =	vadd.f32 v1, v0;
	_ =	sdelay $0x1  }
0x110: {  	[tilespmem:s25+$0x10] =	vst v0;
	v0 =	vld [tilespmem:s25+$0x20]  }
0x111: {  	v1 =	vld [tilespmem:s26+$0x20];
	_ =	sdelay $0x4  }
0x112: {  	v0 =	vadd.f32 v1, v0;
	_ =	sdelay $0x1  }
0x113: {  	[tilespmem:s25+$0x20] =	vst v0;
	v0 =	vld [tilespmem:s25+$0x30]  }
0x114: {  	v1 =	vld [tilespmem:s26+$0x30];
	_ =	sdelay $0x4  }
0x115: {  	v0 =	vadd.f32 v1, v0  }
0x116: {  	s28 =	simm.s32 $0x0;
	s29 =	sadd.s32 $0x400, s25  }
.LBB2_16:
0x117: {  	v1 =	vld [tilespmem:s29+$0xFFFFFFC0];
	[tilespmem:s25+$0x30] =	vst v0;
	s26 =	sadd.s32 $0x400, s26;
	s25 =	smov.u32 s29  }
0x118: {  	s28 =	sadd.s32 $0x8, s28;
	v0 =	vld [tilespmem:s26+$0xFFFFFFC0]  }
0x119: {  	p1 =	slt.u32 s28, $0x38;
	_ =	sdelay $0x3  }
0x11a: {  	v0 =	vadd.f32 v0, v1;
	_ =	sdelay $0x1  }
0x11b: {  	[tilespmem:s29+$0xFFFFFFC0] =	vst v0;
	v0 =	vld [tilespmem:s29+$0xFFFFFFD0]  }
0x11c: {  	v1 =	vld [tilespmem:s26+$0xFFFFFFD0];
	_ =	sdelay $0x4  }
0x11d: {  	v0 =	vadd.f32 v1, v0;
	_ =	sdelay $0x1  }
0x11e: {  	[tilespmem:s29+$0xFFFFFFD0] =	vst v0;
	v0 =	vld [tilespmem:s29+$0xFFFFFFE0]  }
0x11f: {  	v1 =	vld [tilespmem:s26+$0xFFFFFFE0];
	_ =	sdelay $0x4  }
0x120: {  	v0 =	vadd.f32 v1, v0;
	_ =	sdelay $0x1  }
0x121: {  	[tilespmem:s29+$0xFFFFFFE0] =	vst v0;
	v0 =	vld [tilespmem:s29+$0xFFFFFFF0]  }
0x122: {  	v1 =	vld [tilespmem:s26+$0xFFFFFFF0];
	_ =	sdelay $0x4  }
0x123: {  	v0 =	vadd.f32 v1, v0;
	_ =	sdelay $0x1  }
0x124: {  	[tilespmem:s29+$0xFFFFFFF0] =	vst v0;
	v0 =	vld [tilespmem:s29+$0x0]  }
0x125: {  	v1 =	vld [tilespmem:s26+$0x0];
	_ =	sdelay $0x4  }
0x126: {  	v0 =	vadd.f32 v1, v0;
	_ =	sdelay $0x1  }
0x127: {  	[tilespmem:s29+$0x0] =	vst v0;
	v0 =	vld [tilespmem:s29+$0x10]  }
0x128: {  	v1 =	vld [tilespmem:s26+$0x10];
	_ =	sdelay $0x4  }
0x129: {  	v0 =	vadd.f32 v1, v0;
	_ =	sdelay $0x1  }
0x12a: {  	[tilespmem:s29+$0x10] =	vst v0;
	v0 =	vld [tilespmem:s29+$0x20]  }
0x12b: {  	v1 =	vld [tilespmem:s26+$0x20];
	_ =	sdelay $0x4  }
0x12c: {  	v0 =	vadd.f32 v1, v0;
	_ =	sdelay $0x1  }
0x12d: {  	[tilespmem:s29+$0x20] =	vst v0;
	v0 =	vld [tilespmem:s29+$0x30]  }
0x12e: {  	v1 =	vld [tilespmem:s26+$0x30];
	_ =	sdelay $0x1  }
.Ltmp8:
0x12f: {  	(pc) =	sbr.rel @p1 .LBB2_16-.Ltmp8, $3  }
0x130: {  	_ =	sdelay $0x1  }
0x131: {  	v0 =	vadd.f32 v1, v0  }
0x132: {  	s29 =	sadd.s32 $0x400, s29  }
0x133: {  	s24 =	sadd.s32 $0x1, s24  }
0x134: {  	p1 =	sne.s32 s24, $0x20  }
.Ltmp9:
0x135: {  	_ = 	snop;
	(pc) =	sbr.rel @p1 .LBB2_15-.Ltmp9, $2  }
0x136: {  	_ =	sdelay $0x2  }
0x137: {  	[tilespmem:s25+$0x30] =	vst v0;
	s23 =	sadd.s32 $0x400, s23;
	s22 =	sadd.s32 $0x1, s22  }
.Ltmp10:
0x138: {  	s21 =	sadd.s32 s4, s21;
	(pc) =	sbr.rel @p0 .LBB2_20-.Ltmp10, $4  }
0x139: {  	[hbm4b:s21+s5] =	stream.linear.scatter [tilespmem:s13], [sflag:$0x3], $0x8000, $0x38;
	[tilespmem:$0x18000] =	vst v63  }
0x13a: {  	_ =	swait.ge [sflag:s15], $0x8000  }
0x13b: {  	[sflag:s15] =	ssyncset.done $0x0  }
0x13c: {  	[sflag:s15] =	ssyncadd.s32 $0xFFFF8000  }
.Ltmp11:
0x13d: {  	(pc) =	sbr.rel .LBB2_2-.Ltmp11, $4  }
0x13e: {  	s20 =	sadd.s32 s20, s11  }
0x13f: {  	s20 =	sshll.u32 s20, $0x7  }
0x140: {  	s19 =	sadd.s32 $0x1, s19;
	s20 =	sadd.s32 s1, s20  }
0x141: {  	[tilespmem:s13], [sflag:$0x2] =	stream.linear.gather [hbm4b:s20+s5], $0x8000, $0x38;
	[tilespmem:$0x18000] =	vst v63  }
.LBB2_21:
0x142: {  	_ =	sfence.sel $0x180000  }
0x143: {  	[bflag:$0x0] =	sbarrier.arrive $0xFFFF  }
0x144: {  	p0 =	sne.s32 s2, $0x0;
	_ =	strace $0x90000047  }
0x145: {  	s0 =	sadd.s32 @!p0 $0x100000, s0;
	[bflag:$0x2] =	sbarrier.arrive $0xFFFF  }
0x146: {  	[sflag:s0] =	ssyncadd.tile.s32 @!p0 $0x1;
	_ =	shalt  }
.Lfunc_end2:
_tile_overlayer_lowered:
.L_overlay_start_2:
0x147: {  	(tag) =	ssettag $0x2  }
0x148: {  	s0 =	rddreg [dreg:$0x0];
	s2 =	stileid.u32  }
0x149: {  	s1 =	rddreg [dreg:$0x1];
	p0 =	sne.s32 s2, $0x0  }
0x14a: {  	s3 =	rddreg [dreg:$0x2];
	[bflag:$0x3] =	sbarrier.arrive $0xFFFF;
	s2 =	simm.s32 @!p0 $0x1C03  }
0x14b: {  	[timem:s3], [sflag:s2] =	dma.local @!p0 [hbm:s0], s1  }
0x14c: {  	s0 =	simm.s32 @!p0 $0x3  }
0x14d: {  	_ =	swait.ge @!p0 [sflag:s0], s1  }
0x14e: {  	s1 =	ssub.s32 @!p0 $0x0, s1;
	[sflag:s0] =	ssyncset.done @!p0 $0x0  }
0x14f: {  	[sflag:s0] =	ssyncadd.s32 @!p0 s1  }
0x150: {  	[bflag:$0x3] =	sbarrier.arrive $0xFFFF  }
0x151: {  	_ =	shalt  }

</sc_bundles>
